<compile_context>
chip_gen: v7x
topology: tpu7x:2x2x1
jax: 0.10.2.dev20260603
libtpu: 0.0.44.dev20260713+nightly
codegen_flags: <defaults>
</compile_context>

<pallas_src>
import functools

import jax
import jax.numpy as jnp
import numpy as np
from jax import lax
from jax.experimental import pallas as pl
from jax.experimental.pallas import tpu as pltpu
from jax.experimental.pallas import tpu_sc as plsc

MU1, SIGMA1, MU2, SIGMA2 = 5.79, 0.87, 10.68, 1.78
MIN_SEQ_SEP = 5
MAX_DIST = 12.0
TAU_SQ = 0.02 ** 2

NC, NS, LANES = 2, 16, 16
NW = NC * NS

G_N = 4096
G_H = 1.0 / 256.0
G_ZERO = 4088
G_RC = float(np.float32(MAX_DIST - 0.0001))
G_R0 = G_RC - G_ZERO * G_H
G_C0 = G_ZERO - G_RC / G_H


def _g_tables():
    xs = G_R0 + G_H * np.arange(G_N + 1, dtype=np.float64)
    gv = (np.exp(-0.5 * ((xs - MU1) / SIGMA1) ** 2)
          + np.exp(-0.5 * ((xs - MU2) / SIGMA2) ** 2))
    gval = gv[:-1].astype(np.float32)
    gslope = (gv[1:] - gv[:-1]).astype(np.float32)
    gval[G_ZERO:] = 0.0
    gslope[G_ZERO:] = 0.0
    return gval, gslope


_GVAL, _GSLOPE = _g_tables()


def _sc_partials(p_full, r_t, j_t, gval, gslope, B, L, K):
    halves = NW // B
    kph = K // halves
    kpw = 4
    nsub = kph // kpw

    mesh = plsc.VectorSubcoreMesh(
        core_axis_name="c", subcore_axis_name="s",
        num_cores=NC, num_subcores=NS)

    @functools.partial(
        pl.kernel,
        out_type=jax.ShapeDtypeStruct((NW, LANES), jnp.float32),
        mesh=mesh,
        compiler_params=pltpu.CompilerParams(needs_layout_passes=False),
        scratch_types=[
            pltpu.VMEM((L,), jnp.float32),
            pltpu.VMEM((2, kpw, L), jnp.float32),
            pltpu.VMEM((2, kpw, L), jnp.int32),
            pltpu.VMEM((LANES,), jnp.float32),
            pltpu.VMEM((G_N,), jnp.float32),
            pltpu.VMEM((G_N,), jnp.float32),
            pltpu.SemaphoreType.DMA,
            pltpu.SemaphoreType.DMA,
        ],
    )
    def k(pf_hbm, r_hbm, j_hbm, gval_hbm, gslope_hbm, out_hbm,
          table, rv, jv, accv, gval_v, gslope_v, sem0, sem1):
        cid = lax.axis_index("c")
        sid = lax.axis_index("s")
        wid = sid * NC + cid
        b = wid // halves
        k0 = (wid % halves) * kph
        sems = (sem0, sem1)
        iota_m5 = lax.iota(jnp.int32, LANES) - MIN_SEQ_SEP

        def start_sub(sub, slot):
            pltpu.async_copy(r_hbm.at[b, pl.ds(k0 + sub * kpw, kpw)],
                             rv.at[slot], sems[slot])
            pltpu.async_copy(j_hbm.at[b, pl.ds(k0 + sub * kpw, kpw)],
                             jv.at[slot], sems[slot])

        def wait_slot(slot):
            pltpu.make_async_copy(r_hbm.at[0, pl.ds(0, kpw)],
                                  rv.at[slot], sems[slot]).wait()
            pltpu.make_async_copy(j_hbm.at[0, pl.ds(0, kpw)],
                                  jv.at[slot], sems[slot]).wait()

        def compute_sub(slot):
            @plsc.parallel_loop(
                0, L, step=LANES, unroll=4,
                carry=tuple(jnp.zeros((LANES,), jnp.float32)
                            for _ in range(kpw)))
            def accs(v, accs):
                off = pl.multiple_of(v, LANES)
                l_m5 = off + iota_m5
                p_i = table[pl.ds(off, LANES)]
                new = []
                for kk in range(kpw):
                    jvec = jv[slot, kk, pl.ds(off, LANES)]
                    rvec = rv[slot, kk, pl.ds(off, LANES)]
                    sep_ok = (jvec - l_m5).astype(jnp.uint32) \
                        > (2 * MIN_SEQ_SEP)
                    u = rvec * (1.0 / G_H) + G_C0
                    u = jnp.minimum(jnp.maximum(u, 0.0), G_N - 0.001)
                    idx = u.astype(jnp.int32)
                    frac = u - idx.astype(jnp.float32)
                    g = plsc.load_gather(gval_v, [idx]) \
                        + frac * plsc.load_gather(gslope_v, [idx])
                    p_j = plsc.load_gather(table, [jvec])
                    s = (p_i * p_j) * g
                    s = jnp.where(sep_ok, s, 0.0)
                    s2 = s * s
                    new.append(accs[kk] + s * s2 / (s2 + TAU_SQ))
                return tuple(new)

            total = accs[0]
            for kk in range(1, kpw):
                total = total + accs[kk]
            accv[...] = accv[...] + total

        start_sub(0, 0)
        accv[...] = jnp.zeros((LANES,), jnp.float32)
        pltpu.sync_copy(gval_hbm, gval_v)
        pltpu.sync_copy(gslope_hbm, gslope_v)
        pltpu.sync_copy(pf_hbm.at[b], table)

        def pair_body(t, _):
            sub = 2 * t
            start_sub(sub + 1, 1)
            wait_slot(0)
            compute_sub(0)

            @pl.when(sub + 2 < nsub)
            def _():
                start_sub(sub + 2, 0)

            wait_slot(1)
            compute_sub(1)
            return 0

        lax.fori_loop(0, nsub // 2, pair_body, 0)
        pltpu.sync_copy(accv, out_hbm.at[wid])

    return k(p_full, r_t, j_t, gval, gslope)


def kernel(p_ext, R, r, j_idx, lambda_raw):
    del R
    B, L, K = r.shape
    p_full = jnp.pad(p_ext, ((0, 0), (1, 0)))
    r_t = jnp.transpose(r, (0, 2, 1))
    j_t = jnp.transpose(j_idx, (0, 2, 1))
    partials = _sc_partials(p_full, r_t, j_t,
                            jnp.asarray(_GVAL), jnp.asarray(_GSLOPE),
                            B, L, K)
    e_sum = partials.reshape(B, (NW // B) * 16).sum(axis=1)
    lambda_hb = jax.nn.softplus(lambda_raw) + 1e-06
    return -lambda_hb * e_sum / float(max(L, 1))

# --- scband reference (transcript-rebuilt; emitter-appended) ---
"""Pipeline reference for scband-hbond-sheet-58256936403294 (READ-ONLY COPY).

The authoritative reference and input builder live on the scoring server;
editing this copy changes nothing except your own understanding.
"""

import jax, jax.numpy as jnp
import numpy as np

MU1, SIGMA1, MU2, SIGMA2 = 5.79, 0.87, 10.68, 1.78
MIN_SEQ_SEP = 5
MAX_DIST = 12.0


def setup_inputs(seed: int = 0) -> dict:
    key = jax.random.key(seed)
    k1, k2, k3, k4 = jax.random.split(key, 4)
    B, L, K = 16, 4096, 64
    p_ext = jax.random.uniform(k1, (B, L - 1), dtype=jnp.float32)
    R = jax.random.normal(k2, (B, L, 3), dtype=jnp.float32)
    r = jax.random.normal(k3, (B, L, K), dtype=jnp.float32)
    j_idx = jax.random.randint(k4, (B, L, K), 0, L, dtype=jnp.int32)
    # learned parameter lambda_raw = inv_softplus(init_lambda=1.0)
    lambda_raw = jnp.asarray(np.log(np.expm1(1.0)), dtype=jnp.float32)
    return {"p_ext": p_ext, "R": R, "r": r, "j_idx": j_idx, "lambda_raw": lambda_raw}


def reference(p_ext, R, r, j_idx, lambda_raw):
    B, L, K = r.shape
    N = p_ext.shape[1]
    # scatter p_ext into p_full with offset 1
    end = min(1 + N, L)
    p_full = jnp.zeros((B, L), dtype=p_ext.dtype).at[:, 1:end].set(p_ext[:, :end - 1])
    j_safe = jnp.clip(j_idx, 0, L - 1)
    # gather neighbor probabilities
    p_j = jnp.take_along_axis(p_full, j_safe.reshape(B, -1), axis=1).reshape(B, L, K)
    valid = (r < MAX_DIST - 0.0001).astype(jnp.float32)
    i_idx = jnp.arange(L).reshape(1, L, 1)
    seq_sep = jnp.abs(i_idx - j_safe).astype(jnp.float32)
    sep_mask = (seq_sep > MIN_SEQ_SEP).astype(jnp.float32)
    mask = valid * sep_mask
    r_clamped = jnp.minimum(r, MAX_DIST)
    g1 = jnp.exp(-0.5 * ((r_clamped - MU1) / SIGMA1) ** 2)
    g2 = jnp.exp(-0.5 * ((r_clamped - MU2) / SIGMA2) ** 2)
    g = (g1 + g2) * mask
    signal = p_full[:, :, None] * p_j * g
    tau_sq = 0.02 ** 2
    sg = jax.lax.stop_gradient(signal)
    switch = sg ** 2 / (sg ** 2 + tau_sq)
    E_per_pair = signal * switch
    E_per_residue = E_per_pair.sum(axis=-1)
    lambda_hb = jax.nn.softplus(lambda_raw) + 1e-06
    E = -lambda_hb * E_per_residue.sum(axis=-1)
    E = E / float(max(L, 1))
    return E

if __name__ == "__main__":
    import jax
    _d = setup_inputs()
    print(jax.jit(kernel)(*tuple(_d.values())))

</pallas_src>

<mosaic_0001>
#map = affine_map<(d0, d1) -> (0, 0)>
#map1 = affine_map<(d0, d1) -> (0, 0, 0)>
#map2 = affine_map<(d0, d1) -> (0)>
module attributes {stable_mosaic.version = 14 : i64} {
  func.func @k(%arg0: i32, %arg1: i32, %arg2: memref<16x4096xf32, #tpu.memory_space<hbm>>, %arg3: memref<16x64x4096xf32, #tpu.memory_space<hbm>>, %arg4: memref<16x64x4096xi32, #tpu.memory_space<hbm>>, %arg5: memref<4096xf32, #tpu.memory_space<hbm>>, %arg6: memref<4096xf32, #tpu.memory_space<hbm>>, %arg7: memref<32x16xf32, #tpu.memory_space<hbm>>, %arg8: memref<4096xf32, #tpu.memory_space<vmem>>, %arg9: memref<2x4x4096xf32, #tpu.memory_space<vmem>>, %arg10: memref<2x4x4096xi32, #tpu.memory_space<vmem>>, %arg11: memref<16xf32, #tpu.memory_space<vmem>>, %arg12: memref<4096xf32, #tpu.memory_space<vmem>>, %arg13: memref<4096xf32, #tpu.memory_space<vmem>>, %arg14: memref<!tpu.dma_semaphore, #tpu.memory_space<semaphore_mem>>, %arg15: memref<!tpu.dma_semaphore, #tpu.memory_space<semaphore_mem>>) attributes {dimension_semantics = [#tpu.dimension_semantics<core_parallel>, #tpu.dimension_semantics<subcore_parallel>], iteration_bounds = array<i64: 2, 16>, scalar_prefetch = 0 : i64, scratch_operands = 8 : i64, tpu.core_type = #tpu.core_type<sc_vector_subcore>, window_params = [{transform_indices = #map}, {transform_indices = #map1}, {transform_indices = #map1}, {transform_indices = #map2}, {transform_indices = #map2}, {transform_indices = #map}]} {
    %mul3A = arith.constant 2 : i32
    %mul3A_0 = arith.muli %arg1, %mul3A : i32
    %add3A = arith.addi %mul3A_0, %arg0 : i32
    %jit3A = arith.constant 2 : i32
    %div3A = arith.divsi %add3A, %jit3A : i32
    %sign3A = arith.constant 0 : i32
    %sign3A_1 = arith.cmpi sgt, %add3A, %sign3A : i32
    %sign3A_2 = arith.extui %sign3A_1 : i1 to i32
    %sign3A_3 = arith.constant 0 : i32
    %sign3A_4 = arith.cmpi slt, %add3A, %sign3A_3 : i32
    %sign3A_5 = arith.extui %sign3A_4 : i1 to i32
    %sign3A_6 = arith.subi %sign3A_2, %sign3A_5 : i32
    %sign3A_7 = arith.constant 0 : i32
    %sign3A_8 = arith.cmpi sgt, %jit3A, %sign3A_7 : i32
    %sign3A_9 = arith.extui %sign3A_8 : i1 to i32
    %sign3A_10 = arith.constant 0 : i32
    %sign3A_11 = arith.cmpi slt, %jit3A, %sign3A_10 : i32
    %sign3A_12 = arith.extui %sign3A_11 : i1 to i32
    %sign3A_13 = arith.subi %sign3A_9, %sign3A_12 : i32
    %ne3A = arith.cmpi ne, %sign3A_6, %sign3A_13 : i32
    %rem3A = arith.remsi %add3A, %jit3A : i32
    %ne3A_14 = arith.constant 0 : i32
    %ne3A_15 = arith.cmpi ne, %rem3A, %ne3A_14 : i32
    %and3A = arith.andi %ne3A, %ne3A_15 : i1
    %sub3A = arith.constant 1 : i32
    %sub3A_16 = arith.subi %div3A, %sub3A : i32
    %select_n3A = arith.select %and3A, %sub3A_16, %div3A : i32
    %jit3A_17 = arith.constant 2 : i32
    %eq3A = arith.constant 0 : i32
    %eq3A_18 = arith.cmpi eq, %jit3A_17, %eq3A : i32
    %jit3A_19 = arith.constant 1 : i32
    %select_n3A_20 = arith.select %eq3A_18, %jit3A_19, %jit3A_17 : i32
    %rem3A_21 = arith.remsi %add3A, %select_n3A_20 : i32
    %ne3A_22 = arith.constant 0 : i32
    %ne3A_23 = arith.cmpi ne, %rem3A_21, %ne3A_22 : i32
    %lt3A = arith.constant 0 : i32
    %lt3A_24 = arith.cmpi slt, %rem3A_21, %lt3A : i32
    %lt3A_25 = arith.constant 0 : i32
    %lt3A_26 = arith.cmpi slt, %select_n3A_20, %lt3A_25 : i32
    %ne3A_27 = arith.xori %lt3A_24, %lt3A_26 : i1
    %and3A_28 = arith.andi %ne3A_27, %ne3A_23 : i1
    %add3A_29 = arith.addi %rem3A_21, %select_n3A_20 : i32
    %select_n3A_30 = arith.select %and3A_28, %add3A_29, %rem3A_21 : i32
    %mul3A_31 = arith.constant 32 : i32
    %mul3A_32 = arith.muli %select_n3A_30, %mul3A_31 : i32
    %iota3A = tpu.iota {dimensions = array<i32: 0>} : vector<16xi32>
    %sub3A_33 = arith.constant 5 : i32
    %sub3A_34 = vector.broadcast %sub3A_33 : i32 to vector<16xi32>
    %sub3A_35 = arith.subi %iota3A, %sub3A_34 : vector<16xi32>
    %add3A_36 = arith.constant 0 : i32
    %add3A_37 = arith.addi %mul3A_32, %add3A_36 : i32
    %dma_start3A = arith.constant 0 : i32
    %dma_start3A_38 = arith.constant 0 : i32
    %dma_start3A_39 = arith.constant 0 : i32
    %dma_start3A_40 = tpu.memref_slice %arg9[%dma_start3A, %dma_start3A_38, %dma_start3A_39] : memref<2x4x4096xf32, #tpu.memory_space<vmem>> -> memref<1x4x4096xf32, #tpu.memory_space<vmem>>
    %dma_start3A_41 = tpu.memref_squeeze %dma_start3A_40 : memref<1x4x4096xf32, #tpu.memory_space<vmem>> -> memref<4x4096xf32, #tpu.memory_space<vmem>>
    %dma_start3A_42 = arith.constant 0 : i32
    %dma_start3A_43 = tpu.memref_slice %arg3[%select_n3A, %add3A_37, %dma_start3A_42] : memref<16x64x4096xf32, #tpu.memory_space<hbm>> -> memref<1x4x4096xf32, #tpu.memory_space<hbm>>
    %dma_start3A_44 = tpu.memref_squeeze %dma_start3A_43 : memref<1x4x4096xf32, #tpu.memory_space<hbm>> -> memref<4x4096xf32, #tpu.memory_space<hbm>>
    %dma_start3A_45 = arith.constant 0 : i32
    %dma_start3A_46 = arith.constant 0 : i32
    %dma_start3A_47 = tpu.memref_slice %arg9[%dma_start3A, %dma_start3A_45, %dma_start3A_46] : memref<2x4x4096xf32, #tpu.memory_space<vmem>> -> memref<1x4x4096xf32, #tpu.memory_space<vmem>>
    %dma_start3A_48 = tpu.memref_squeeze %dma_start3A_47 : memref<1x4x4096xf32, #tpu.memory_space<vmem>> -> memref<4x4096xf32, #tpu.memory_space<vmem>>
    %dma_start3A_49 = arith.constant 0 : i32
    %dma_start3A_50 = tpu.memref_slice %arg3[%select_n3A, %add3A_37, %dma_start3A_49] : memref<16x64x4096xf32, #tpu.memory_space<hbm>> -> memref<1x4x4096xf32, #tpu.memory_space<hbm>>
    %dma_start3A_51 = tpu.memref_squeeze %dma_start3A_50 : memref<1x4x4096xf32, #tpu.memory_space<hbm>> -> memref<4x4096xf32, #tpu.memory_space<hbm>>
    tpu.enqueue_dma source(%dma_start3A_51 : memref<4x4096xf32, #tpu.memory_space<hbm>>) target(%dma_start3A_48 : memref<4x4096xf32, #tpu.memory_space<vmem>>) target_semaphore(%arg14 : memref<!tpu.dma_semaphore, #tpu.memory_space<semaphore_mem>>)
    %add3A_52 = arith.constant 0 : i32
    %add3A_53 = arith.addi %mul3A_32, %add3A_52 : i32
    %dma_start3A_54 = arith.constant 0 : i32
    %dma_start3A_55 = arith.constant 0 : i32
    %dma_start3A_56 = arith.constant 0 : i32
    %dma_start3A_57 = tpu.memref_slice %arg10[%dma_start3A_54, %dma_start3A_55, %dma_start3A_56] : memref<2x4x4096xi32, #tpu.memory_space<vmem>> -> memref<1x4x4096xi32, #tpu.memory_space<vmem>>
    %dma_start3A_58 = tpu.memref_squeeze %dma_start3A_57 : memref<1x4x4096xi32, #tpu.memory_space<vmem>> -> memref<4x4096xi32, #tpu.memory_space<vmem>>
    %dma_start3A_59 = arith.constant 0 : i32
    %dma_start3A_60 = tpu.memref_slice %arg4[%select_n3A, %add3A_53, %dma_start3A_59] : memref<16x64x4096xi32, #tpu.memory_space<hbm>> -> memref<1x4x4096xi32, #tpu.memory_space<hbm>>
    %dma_start3A_61 = tpu.memref_squeeze %dma_start3A_60 : memref<1x4x4096xi32, #tpu.memory_space<hbm>> -> memref<4x4096xi32, #tpu.memory_space<hbm>>
    %dma_start3A_62 = arith.constant 0 : i32
    %dma_start3A_63 = arith.constant 0 : i32
    %dma_start3A_64 = tpu.memref_slice %arg10[%dma_start3A_54, %dma_start3A_62, %dma_start3A_63] : memref<2x4x4096xi32, #tpu.memory_space<vmem>> -> memref<1x4x4096xi32, #tpu.memory_space<vmem>>
    %dma_start3A_65 = tpu.memref_squeeze %dma_start3A_64 : memref<1x4x4096xi32, #tpu.memory_space<vmem>> -> memref<4x4096xi32, #tpu.memory_space<vmem>>
    %dma_start3A_66 = arith.constant 0 : i32
    %dma_start3A_67 = tpu.memref_slice %arg4[%select_n3A, %add3A_53, %dma_start3A_66] : memref<16x64x4096xi32, #tpu.memory_space<hbm>> -> memref<1x4x4096xi32, #tpu.memory_space<hbm>>
    %dma_start3A_68 = tpu.memref_squeeze %dma_start3A_67 : memref<1x4x4096xi32, #tpu.memory_space<hbm>> -> memref<4x4096xi32, #tpu.memory_space<hbm>>
    tpu.enqueue_dma source(%dma_start3A_68 : memref<4x4096xi32, #tpu.memory_space<hbm>>) target(%dma_start3A_65 : memref<4x4096xi32, #tpu.memory_space<vmem>>) target_semaphore(%arg14 : memref<!tpu.dma_semaphore, #tpu.memory_space<semaphore_mem>>)
    %broadcast_in_dim3A = arith.constant 0.000000e+00 : f32
    %broadcast_in_dim3A_69 = vector.broadcast %broadcast_in_dim3A : f32 to vector<16xf32>
    %swap3A = arith.constant 0 : index
    %swap3A_70 = tpu.vector_load %arg11[%swap3A] {strides = array<i32>} : memref<16xf32, #tpu.memory_space<vmem>>, vector<16xf32>,
    tpu.vector_store %arg11[%swap3A], %broadcast_in_dim3A_69 {strides = array<i32>} : memref<16xf32, #tpu.memory_space<vmem>>, vector<16xf32>,
    "tpu.region"() ({
      %run_scoped3A = tpu.sem_alloc : memref<!tpu.dma_semaphore, #tpu.memory_space<semaphore_mem>>
      tpu.enqueue_dma source(%arg5 : memref<4096xf32, #tpu.memory_space<hbm>>) target(%arg12 : memref<4096xf32, #tpu.memory_space<vmem>>) target_semaphore(%run_scoped3A : memref<!tpu.dma_semaphore, #tpu.memory_space<semaphore_mem>>)
      tpu.wait_dma2 semaphore(%run_scoped3A : memref<!tpu.dma_semaphore, #tpu.memory_space<semaphore_mem>>) src(%arg5 : memref<4096xf32, #tpu.memory_space<hbm>>) dst(%arg12 : memref<4096xf32, #tpu.memory_space<vmem>>)
      tpu.yield
    }) : () -> ()
    "tpu.region"() ({
      %run_scoped3A = tpu.sem_alloc : memref<!tpu.dma_semaphore, #tpu.memory_space<semaphore_mem>>
      tpu.enqueue_dma source(%arg6 : memref<4096xf32, #tpu.memory_space<hbm>>) target(%arg13 : memref<4096xf32, #tpu.memory_space<vmem>>) target_semaphore(%run_scoped3A : memref<!tpu.dma_semaphore, #tpu.memory_space<semaphore_mem>>)
      tpu.wait_dma2 semaphore(%run_scoped3A : memref<!tpu.dma_semaphore, #tpu.memory_space<semaphore_mem>>) src(%arg6 : memref<4096xf32, #tpu.memory_space<hbm>>) dst(%arg13 : memref<4096xf32, #tpu.memory_space<vmem>>)
      tpu.yield
    }) : () -> ()
    "tpu.region"() ({
      %run_scoped3A = tpu.sem_alloc : memref<!tpu.dma_semaphore, #tpu.memory_space<semaphore_mem>>
      %dma_start3A_77 = arith.constant 0 : i32
      %dma_start3A_78 = tpu.memref_slice %arg2[%select_n3A, %dma_start3A_77] : memref<16x4096xf32, #tpu.memory_space<hbm>> -> memref<1x4096xf32, #tpu.memory_space<hbm>>
      %dma_start3A_79 = tpu.memref_squeeze %dma_start3A_78 : memref<1x4096xf32, #tpu.memory_space<hbm>> -> memref<4096xf32, #tpu.memory_space<hbm>>
      %dma_start3A_80 = arith.constant 0 : i32
      %dma_start3A_81 = tpu.memref_slice %arg2[%select_n3A, %dma_start3A_80] : memref<16x4096xf32, #tpu.memory_space<hbm>> -> memref<1x4096xf32, #tpu.memory_space<hbm>>
      %dma_start3A_82 = tpu.memref_squeeze %dma_start3A_81 : memref<1x4096xf32, #tpu.memory_space<hbm>> -> memref<4096xf32, #tpu.memory_space<hbm>>
      tpu.enqueue_dma source(%dma_start3A_82 : memref<4096xf32, #tpu.memory_space<hbm>>) target(%arg8 : memref<4096xf32, #tpu.memory_space<vmem>>) target_semaphore(%run_scoped3A : memref<!tpu.dma_semaphore, #tpu.memory_space<semaphore_mem>>)
      %dma_wait3A = arith.constant 0 : i32
      %dma_wait3A_83 = tpu.memref_slice %arg2[%select_n3A, %dma_wait3A] : memref<16x4096xf32, #tpu.memory_space<hbm>> -> memref<1x4096xf32, #tpu.memory_space<hbm>>
      %dma_wait3A_84 = tpu.memref_squeeze %dma_wait3A_83 : memref<1x4096xf32, #tpu.memory_space<hbm>> -> memref<4096xf32, #tpu.memory_space<hbm>>
      %dma_wait3A_85 = arith.constant 0 : i32
      %dma_wait3A_86 = tpu.memref_slice %arg2[%select_n3A, %dma_wait3A_85] : memref<16x4096xf32, #tpu.memory_space<hbm>> -> memref<1x4096xf32, #tpu.memory_space<hbm>>
      %dma_wait3A_87 = tpu.memref_squeeze %dma_wait3A_86 : memref<1x4096xf32, #tpu.memory_space<hbm>> -> memref<4096xf32, #tpu.memory_space<hbm>>
      tpu.wait_dma2 semaphore(%run_scoped3A : memref<!tpu.dma_semaphore, #tpu.memory_space<semaphore_mem>>) src(%dma_wait3A_87 : memref<4096xf32, #tpu.memory_space<hbm>>) dst(%arg8 : memref<4096xf32, #tpu.memory_space<vmem>>)
      tpu.yield
    }) : () -> ()
    %scan3A = arith.constant 0 : i32
    %scan3A_71 = arith.constant 0 : i32
    %scan3A_72 = arith.constant 4 : i32
    %scan3A_73 = arith.addi %scan3A_71, %scan3A_72 : i32
    %scan3A_74 = arith.constant 1 : i32
    %scan3A_75 = scf.for %scan3A_77 = %scan3A_71 to %scan3A_73 step %scan3A_74 iter_args(%scan3A_78 = %scan3A) -> (i32)  : i32 {
      %mul3A_79 = arith.constant 2 : i32
      %mul3A_80 = arith.muli %mul3A_79, %scan3A_77 : i32
      %add3A_81 = arith.constant 1 : i32
      %add3A_82 = arith.addi %mul3A_80, %add3A_81 : i32
      %mul3A_83 = arith.constant 4 : i32
      %mul3A_84 = arith.muli %add3A_82, %mul3A_83 : i32
      %add3A_85 = arith.addi %mul3A_32, %mul3A_84 : i32
      %dma_start3A_86 = arith.constant 1 : i32
      %dma_start3A_87 = arith.constant 0 : i32
      %dma_start3A_88 = arith.constant 0 : i32
      %dma_start3A_89 = tpu.memref_slice %arg9[%dma_start3A_86, %dma_start3A_87, %dma_start3A_88] : memref<2x4x4096xf32, #tpu.memory_space<vmem>> -> memref<1x4x4096xf32, #tpu.memory_space<vmem>>
      %dma_start3A_90 = tpu.memref_squeeze %dma_start3A_89 : memref<1x4x4096xf32, #tpu.memory_space<vmem>> -> memref<4x4096xf32, #tpu.memory_space<vmem>>
      %dma_start3A_91 = arith.constant 0 : i32
      %dma_start3A_92 = tpu.memref_slice %arg3[%select_n3A, %add3A_85, %dma_start3A_91] : memref<16x64x4096xf32, #tpu.memory_space<hbm>> -> memref<1x4x4096xf32, #tpu.memory_space<hbm>>
      %dma_start3A_93 = tpu.memref_squeeze %dma_start3A_92 : memref<1x4x4096xf32, #tpu.memory_space<hbm>> -> memref<4x4096xf32, #tpu.memory_space<hbm>>
      %dma_start3A_94 = arith.constant 0 : i32
      %dma_start3A_95 = arith.constant 0 : i32
      %dma_start3A_96 = tpu.memref_slice %arg9[%dma_start3A_86, %dma_start3A_94, %dma_start3A_95] : memref<2x4x4096xf32, #tpu.memory_space<vmem>> -> memref<1x4x4096xf32, #tpu.memory_space<vmem>>
      %dma_start3A_97 = tpu.memref_squeeze %dma_start3A_96 : memref<1x4x4096xf32, #tpu.memory_space<vmem>> -> memref<4x4096xf32, #tpu.memory_space<vmem>>
      %dma_start3A_98 = arith.constant 0 : i32
      %dma_start3A_99 = tpu.memref_slice %arg3[%select_n3A, %add3A_85, %dma_start3A_98] : memref<16x64x4096xf32, #tpu.memory_space<hbm>> -> memref<1x4x4096xf32, #tpu.memory_space<hbm>>
      %dma_start3A_100 = tpu.memref_squeeze %dma_start3A_99 : memref<1x4x4096xf32, #tpu.memory_space<hbm>> -> memref<4x4096xf32, #tpu.memory_space<hbm>>
      tpu.enqueue_dma source(%dma_start3A_100 : memref<4x4096xf32, #tpu.memory_space<hbm>>) target(%dma_start3A_97 : memref<4x4096xf32, #tpu.memory_space<vmem>>) target_semaphore(%arg15 : memref<!tpu.dma_semaphore, #tpu.memory_space<semaphore_mem>>)
      %mul3A_101 = arith.constant 4 : i32
      %mul3A_102 = arith.muli %add3A_82, %mul3A_101 : i32
      %add3A_103 = arith.addi %mul3A_32, %mul3A_102 : i32
      %dma_start3A_104 = arith.constant 1 : i32
      %dma_start3A_105 = arith.constant 0 : i32
      %dma_start3A_106 = arith.constant 0 : i32
      %dma_start3A_107 = tpu.memref_slice %arg10[%dma_start3A_104, %dma_start3A_105, %dma_start3A_106] : memref<2x4x4096xi32, #tpu.memory_space<vmem>> -> memref<1x4x4096xi32, #tpu.memory_space<vmem>>
      %dma_start3A_108 = tpu.memref_squeeze %dma_start3A_107 : memref<1x4x4096xi32, #tpu.memory_space<vmem>> -> memref<4x4096xi32, #tpu.memory_space<vmem>>
      %dma_start3A_109 = arith.constant 0 : i32
      %dma_start3A_110 = tpu.memref_slice %arg4[%select_n3A, %add3A_103, %dma_start3A_109] : memref<16x64x4096xi32, #tpu.memory_space<hbm>> -> memref<1x4x4096xi32, #tpu.memory_space<hbm>>
      %dma_start3A_111 = tpu.memref_squeeze %dma_start3A_110 : memref<1x4x4096xi32, #tpu.memory_space<hbm>> -> memref<4x4096xi32, #tpu.memory_space<hbm>>
      %dma_start3A_112 = arith.constant 0 : i32
      %dma_start3A_113 = arith.constant 0 : i32
      %dma_start3A_114 = tpu.memref_slice %arg10[%dma_start3A_104, %dma_start3A_112, %dma_start3A_113] : memref<2x4x4096xi32, #tpu.memory_space<vmem>> -> memref<1x4x4096xi32, #tpu.memory_space<vmem>>
      %dma_start3A_115 = tpu.memref_squeeze %dma_start3A_114 : memref<1x4x4096xi32, #tpu.memory_space<vmem>> -> memref<4x4096xi32, #tpu.memory_space<vmem>>
      %dma_start3A_116 = arith.constant 0 : i32
      %dma_start3A_117 = tpu.memref_slice %arg4[%select_n3A, %add3A_103, %dma_start3A_116] : memref<16x64x4096xi32, #tpu.memory_space<hbm>> -> memref<1x4x4096xi32, #tpu.memory_space<hbm>>
      %dma_start3A_118 = tpu.memref_squeeze %dma_start3A_117 : memref<1x4x4096xi32, #tpu.memory_space<hbm>> -> memref<4x4096xi32, #tpu.memory_space<hbm>>
      tpu.enqueue_dma source(%dma_start3A_118 : memref<4x4096xi32, #tpu.memory_space<hbm>>) target(%dma_start3A_115 : memref<4x4096xi32, #tpu.memory_space<vmem>>) target_semaphore(%arg15 : memref<!tpu.dma_semaphore, #tpu.memory_space<semaphore_mem>>)
      %dma_wait3A = arith.constant 0 : i32
      %dma_wait3A_119 = arith.constant 0 : i32
      %dma_wait3A_120 = arith.constant 0 : i32
      %dma_wait3A_121 = arith.constant 0 : i32
      %dma_wait3A_122 = tpu.memref_slice %arg9[%dma_wait3A_119, %dma_wait3A_120, %dma_wait3A_121] : memref<2x4x4096xf32, #tpu.memory_space<vmem>> -> memref<1x4x4096xf32, #tpu.memory_space<vmem>>
      %dma_wait3A_123 = tpu.memref_squeeze %dma_wait3A_122 : memref<1x4x4096xf32, #tpu.memory_space<vmem>> -> memref<4x4096xf32, #tpu.memory_space<vmem>>
      %dma_wait3A_124 = arith.constant 0 : i32
      %dma_wait3A_125 = arith.constant 0 : i32
      %dma_wait3A_126 = tpu.memref_slice %arg3[%dma_wait3A, %dma_wait3A_124, %dma_wait3A_125] : memref<16x64x4096xf32, #tpu.memory_space<hbm>> -> memref<1x4x4096xf32, #tpu.memory_space<hbm>>
      %dma_wait3A_127 = tpu.memref_squeeze %dma_wait3A_126 : memref<1x4x4096xf32, #tpu.memory_space<hbm>> -> memref<4x4096xf32, #tpu.memory_space<hbm>>
      %dma_wait3A_128 = arith.constant 0 : i32
      %dma_wait3A_129 = arith.constant 0 : i32
      %dma_wait3A_130 = tpu.memref_slice %arg9[%dma_wait3A_119, %dma_wait3A_128, %dma_wait3A_129] : memref<2x4x4096xf32, #tpu.memory_space<vmem>> -> memref<1x4x4096xf32, #tpu.memory_space<vmem>>
      %dma_wait3A_131 = tpu.memref_squeeze %dma_wait3A_130 : memref<1x4x4096xf32, #tpu.memory_space<vmem>> -> memref<4x4096xf32, #tpu.memory_space<vmem>>
      %dma_wait3A_132 = arith.constant 0 : i32
      %dma_wait3A_133 = arith.constant 0 : i32
      %dma_wait3A_134 = tpu.memref_slice %arg3[%dma_wait3A, %dma_wait3A_132, %dma_wait3A_133] : memref<16x64x4096xf32, #tpu.memory_space<hbm>> -> memref<1x4x4096xf32, #tpu.memory_space<hbm>>
      %dma_wait3A_135 = tpu.memref_squeeze %dma_wait3A_134 : memref<1x4x4096xf32, #tpu.memory_space<hbm>> -> memref<4x4096xf32, #tpu.memory_space<hbm>>
      tpu.wait_dma2 semaphore(%arg14 : memref<!tpu.dma_semaphore, #tpu.memory_space<semaphore_mem>>) src(%dma_wait3A_135 : memref<4x4096xf32, #tpu.memory_space<hbm>>) dst(%dma_wait3A_131 : memref<4x4096xf32, #tpu.memory_space<vmem>>)
      %dma_wait3A_136 = arith.constant 0 : i32
      %dma_wait3A_137 = arith.constant 0 : i32
      %dma_wait3A_138 = arith.constant 0 : i32
      %dma_wait3A_139 = arith.constant 0 : i32
      %dma_wait3A_140 = tpu.memref_slice %arg10[%dma_wait3A_137, %dma_wait3A_138, %dma_wait3A_139] : memref<2x4x4096xi32, #tpu.memory_space<vmem>> -> memref<1x4x4096xi32, #tpu.memory_space<vmem>>
      %dma_wait3A_141 = tpu.memref_squeeze %dma_wait3A_140 : memref<1x4x4096xi32, #tpu.memory_space<vmem>> -> memref<4x4096xi32, #tpu.memory_space<vmem>>
      %dma_wait3A_142 = arith.constant 0 : i32
      %dma_wait3A_143 = arith.constant 0 : i32
      %dma_wait3A_144 = tpu.memref_slice %arg4[%dma_wait3A_136, %dma_wait3A_142, %dma_wait3A_143] : memref<16x64x4096xi32, #tpu.memory_space<hbm>> -> memref<1x4x4096xi32, #tpu.memory_space<hbm>>
      %dma_wait3A_145 = tpu.memref_squeeze %dma_wait3A_144 : memref<1x4x4096xi32, #tpu.memory_space<hbm>> -> memref<4x4096xi32, #tpu.memory_space<hbm>>
      %dma_wait3A_146 = arith.constant 0 : i32
      %dma_wait3A_147 = arith.constant 0 : i32
      %dma_wait3A_148 = tpu.memref_slice %arg10[%dma_wait3A_137, %dma_wait3A_146, %dma_wait3A_147] : memref<2x4x4096xi32, #tpu.memory_space<vmem>> -> memref<1x4x4096xi32, #tpu.memory_space<vmem>>
      %dma_wait3A_149 = tpu.memref_squeeze %dma_wait3A_148 : memref<1x4x4096xi32, #tpu.memory_space<vmem>> -> memref<4x4096xi32, #tpu.memory_space<vmem>>
      %dma_wait3A_150 = arith.constant 0 : i32
      %dma_wait3A_151 = arith.constant 0 : i32
      %dma_wait3A_152 = tpu.memref_slice %arg4[%dma_wait3A_136, %dma_wait3A_150, %dma_wait3A_151] : memref<16x64x4096xi32, #tpu.memory_space<hbm>> -> memref<1x4x4096xi32, #tpu.memory_space<hbm>>
      %dma_wait3A_153 = tpu.memref_squeeze %dma_wait3A_152 : memref<1x4x4096xi32, #tpu.memory_space<hbm>> -> memref<4x4096xi32, #tpu.memory_space<hbm>>
      tpu.wait_dma2 semaphore(%arg14 : memref<!tpu.dma_semaphore, #tpu.memory_space<semaphore_mem>>) src(%dma_wait3A_153 : memref<4x4096xi32, #tpu.memory_space<hbm>>) dst(%dma_wait3A_149 : memref<4x4096xi32, #tpu.memory_space<vmem>>)
      %broadcast_in_dim3A_154 = arith.constant 0.000000e+00 : f32
      %broadcast_in_dim3A_155 = vector.broadcast %broadcast_in_dim3A_154 : f32 to vector<16xf32>
      %broadcast_in_dim3A_156 = arith.constant 0.000000e+00 : f32
      %broadcast_in_dim3A_157 = vector.broadcast %broadcast_in_dim3A_156 : f32 to vector<16xf32>
      %broadcast_in_dim3A_158 = arith.constant 0.000000e+00 : f32
      %broadcast_in_dim3A_159 = vector.broadcast %broadcast_in_dim3A_158 : f32 to vector<16xf32>
      %broadcast_in_dim3A_160 = arith.constant 0.000000e+00 : f32
      %broadcast_in_dim3A_161 = vector.broadcast %broadcast_in_dim3A_160 : f32 to vector<16xf32>
      %parallel_loop3A = arith.constant 0 : i32
      %parallel_loop3A_162 = arith.constant 4096 : i32
      %parallel_loop3A_163 = arith.constant 16 : i32
      %parallel_loop3A_164:4 = scf.for %parallel_loop3A_234 = %parallel_loop3A to %parallel_loop3A_162 step %parallel_loop3A_163 iter_args(%parallel_loop3A_235 = %broadcast_in_dim3A_155, %parallel_loop3A_236 = %broadcast_in_dim3A_157, %parallel_loop3A_237 = %broadcast_in_dim3A_159, %parallel_loop3A_238 = %broadcast_in_dim3A_161) -> (vector<16xf32>, vector<16xf32>, vector<16xf32>, vector<16xf32>)  : i32 {
        %parallel_loop3A_239 = tpu.assume_multiple %parallel_loop3A_234, 16 : i32
        %parallel_loop3A_240 = vector.broadcast %parallel_loop3A_239 : i32 to vector<16xi32>
        %parallel_loop3A_241 = arith.addi %parallel_loop3A_240, %sub3A_35 : vector<16xi32>
        %parallel_loop3A_242 = arith.index_cast %parallel_loop3A_239 : i32 to index
        %parallel_loop3A_243 = tpu.vector_load %arg8[%parallel_loop3A_242] {strides = array<i32>} : memref<4096xf32, #tpu.memory_space<vmem>>, vector<16xf32>,
        %parallel_loop3A_244 = arith.constant 0 : i32
        %parallel_loop3A_245 = arith.constant 0 : i32
        %parallel_loop3A_246 = arith.index_cast %parallel_loop3A_244 : i32 to index
        %parallel_loop3A_247 = arith.index_cast %parallel_loop3A_245 : i32 to index
        %parallel_loop3A_248 = arith.index_cast %parallel_loop3A_239 : i32 to index
        %parallel_loop3A_249 = tpu.vector_load %arg10[%parallel_loop3A_246, %parallel_loop3A_247, %parallel_loop3A_248] {strides = array<i32>} : memref<2x4x4096xi32, #tpu.memory_space<vmem>>, vector<16xi32>,
        %parallel_loop3A_250 = arith.constant 0 : i32
        %parallel_loop3A_251 = arith.constant 0 : i32
        %parallel_loop3A_252 = arith.index_cast %parallel_loop3A_250 : i32 to index
        %parallel_loop3A_253 = arith.index_cast %parallel_loop3A_251 : i32 to index
        %parallel_loop3A_254 = arith.index_cast %parallel_loop3A_239 : i32 to index
        %parallel_loop3A_255 = tpu.vector_load %arg9[%parallel_loop3A_252, %parallel_loop3A_253, %parallel_loop3A_254] {strides = array<i32>} : memref<2x4x4096xf32, #tpu.memory_space<vmem>>, vector<16xf32>,
        %parallel_loop3A_256 = arith.subi %parallel_loop3A_249, %parallel_loop3A_241 : vector<16xi32>
        %parallel_loop3A_257 = arith.constant 10 : i32
        %parallel_loop3A_258 = vector.broadcast %parallel_loop3A_257 : i32 to vector<16xi32>
        %parallel_loop3A_259 = arith.cmpi ugt, %parallel_loop3A_256, %parallel_loop3A_258 : vector<16xi32>
        %parallel_loop3A_260 = arith.constant 2.560000e+02 : f32
        %parallel_loop3A_261 = vector.broadcast %parallel_loop3A_260 : f32 to vector<16xf32>
        %parallel_loop3A_262 = arith.mulf %parallel_loop3A_255, %parallel_loop3A_261 : vector<16xf32>
        %parallel_loop3A_263 = arith.constant 1016.02563 : f32
        %parallel_loop3A_264 = vector.broadcast %parallel_loop3A_263 : f32 to vector<16xf32>
        %parallel_loop3A_265 = arith.addf %parallel_loop3A_262, %parallel_loop3A_264 : vector<16xf32>
        %parallel_loop3A_266 = arith.constant 0.000000e+00 : f32
        %parallel_loop3A_267 = vector.broadcast %parallel_loop3A_266 : f32 to vector<16xf32>
        %parallel_loop3A_268 = arith.maximumf %parallel_loop3A_265, %parallel_loop3A_267 : vector<16xf32>
        %parallel_loop3A_269 = arith.constant 4095.99902 : f32
        %parallel_loop3A_270 = vector.broadcast %parallel_loop3A_269 : f32 to vector<16xf32>
        %parallel_loop3A_271 = arith.minimumf %parallel_loop3A_268, %parallel_loop3A_270 : vector<16xf32>
        %parallel_loop3A_272 = arith.fptosi %parallel_loop3A_271 : vector<16xf32> to vector<16xi32>
        %parallel_loop3A_273 = arith.sitofp %parallel_loop3A_272 : vector<16xi32> to vector<16xf32>
        %parallel_loop3A_274 = arith.subf %parallel_loop3A_271, %parallel_loop3A_273 : vector<16xf32>
        %parallel_loop3A_275 = tpu.vector_load_idx %arg12[%parallel_loop3A_272] : memref<4096xf32, #tpu.memory_space<vmem>>[vector<16xi32>], vector<16xf32>,
        %parallel_loop3A_276 = tpu.vector_load_idx %arg13[%parallel_loop3A_272] : memref<4096xf32, #tpu.memory_space<vmem>>[vector<16xi32>], vector<16xf32>,
        %parallel_loop3A_277 = arith.mulf %parallel_loop3A_274, %parallel_loop3A_276 : vector<16xf32>
        %parallel_loop3A_278 = arith.addf %parallel_loop3A_275, %parallel_loop3A_277 : vector<16xf32>
        %parallel_loop3A_279 = tpu.vector_load_idx %arg8[%parallel_loop3A_249] : memref<4096xf32, #tpu.memory_space<vmem>>[vector<16xi32>], vector<16xf32>,
        %parallel_loop3A_280 = arith.mulf %parallel_loop3A_243, %parallel_loop3A_279 : vector<16xf32>
        %parallel_loop3A_281 = arith.mulf %parallel_loop3A_280, %parallel_loop3A_278 : vector<16xf32>
        %parallel_loop3A_282 = arith.constant 0.000000e+00 : f32
        %parallel_loop3A_283 = vector.broadcast %parallel_loop3A_282 : f32 to vector<16xf32>
        %parallel_loop3A_284 = arith.select %parallel_loop3A_259, %parallel_loop3A_281, %parallel_loop3A_283 : vector<16xi1>, vector<16xf32>
        %parallel_loop3A_285 = arith.mulf %parallel_loop3A_284, %parallel_loop3A_284 : vector<16xf32>
        %parallel_loop3A_286 = arith.mulf %parallel_loop3A_284, %parallel_loop3A_285 : vector<16xf32>
        %parallel_loop3A_287 = arith.constant 4.000000e-04 : f32
        %parallel_loop3A_288 = vector.broadcast %parallel_loop3A_287 : f32 to vector<16xf32>
        %parallel_loop3A_289 = arith.addf %parallel_loop3A_285, %parallel_loop3A_288 : vector<16xf32>
        %parallel_loop3A_290 = arith.divf %parallel_loop3A_286, %parallel_loop3A_289 : vector<16xf32>
        %parallel_loop3A_291 = arith.addf %parallel_loop3A_235, %parallel_loop3A_290 : vector<16xf32>
        %parallel_loop3A_292 = arith.constant 0 : i32
        %parallel_loop3A_293 = arith.constant 1 : i32
        %parallel_loop3A_294 = arith.index_cast %parallel_loop3A_292 : i32 to index
        %parallel_loop3A_295 = arith.index_cast %parallel_loop3A_293 : i32 to index
        %parallel_loop3A_296 = arith.index_cast %parallel_loop3A_239 : i32 to index
        %parallel_loop3A_297 = tpu.vector_load %arg10[%parallel_loop3A_294, %parallel_loop3A_295, %parallel_loop3A_296] {strides = array<i32>} : memref<2x4x4096xi32, #tpu.memory_space<vmem>>, vector<16xi32>,
        %parallel_loop3A_298 = arith.constant 0 : i32
        %parallel_loop3A_299 = arith.constant 1 : i32
        %parallel_loop3A_300 = arith.index_cast %parallel_loop3A_298 : i32 to index
        %parallel_loop3A_301 = arith.index_cast %parallel_loop3A_299 : i32 to index
        %parallel_loop3A_302 = arith.index_cast %parallel_loop3A_239 : i32 to index
        %parallel_loop3A_303 = tpu.vector_load %arg9[%parallel_loop3A_300, %parallel_loop3A_301, %parallel_loop3A_302] {strides = array<i32>} : memref<2x4x4096xf32, #tpu.memory_space<vmem>>, vector<16xf32>,
        %parallel_loop3A_304 = arith.subi %parallel_loop3A_297, %parallel_loop3A_241 : vector<16xi32>
        %parallel_loop3A_305 = arith.constant 10 : i32
        %parallel_loop3A_306 = vector.broadcast %parallel_loop3A_305 : i32 to vector<16xi32>
        %parallel_loop3A_307 = arith.cmpi ugt, %parallel_loop3A_304, %parallel_loop3A_306 : vector<16xi32>
        %parallel_loop3A_308 = arith.constant 2.560000e+02 : f32
        %parallel_loop3A_309 = vector.broadcast %parallel_loop3A_308 : f32 to vector<16xf32>
        %parallel_loop3A_310 = arith.mulf %parallel_loop3A_303, %parallel_loop3A_309 : vector<16xf32>
        %parallel_loop3A_311 = arith.constant 1016.02563 : f32
        %parallel_loop3A_312 = vector.broadcast %parallel_loop3A_311 : f32 to vector<16xf32>
        %parallel_loop3A_313 = arith.addf %parallel_loop3A_310, %parallel_loop3A_312 : vector<16xf32>
        %parallel_loop3A_314 = arith.constant 0.000000e+00 : f32
        %parallel_loop3A_315 = vector.broadcast %parallel_loop3A_314 : f32 to vector<16xf32>
        %parallel_loop3A_316 = arith.maximumf %parallel_loop3A_313, %parallel_loop3A_315 : vector<16xf32>
        %parallel_loop3A_317 = arith.constant 4095.99902 : f32
        %parallel_loop3A_318 = vector.broadcast %parallel_loop3A_317 : f32 to vector<16xf32>
        %parallel_loop3A_319 = arith.minimumf %parallel_loop3A_316, %parallel_loop3A_318 : vector<16xf32>
        %parallel_loop3A_320 = arith.fptosi %parallel_loop3A_319 : vector<16xf32> to vector<16xi32>
        %parallel_loop3A_321 = arith.sitofp %parallel_loop3A_320 : vector<16xi32> to vector<16xf32>
        %parallel_loop3A_322 = arith.subf %parallel_loop3A_319, %parallel_loop3A_321 : vector<16xf32>
        %parallel_loop3A_323 = tpu.vector_load_idx %arg12[%parallel_loop3A_320] : memref<4096xf32, #tpu.memory_space<vmem>>[vector<16xi32>], vector<16xf32>,
        %parallel_loop3A_324 = tpu.vector_load_idx %arg13[%parallel_loop3A_320] : memref<4096xf32, #tpu.memory_space<vmem>>[vector<16xi32>], vector<16xf32>,
        %parallel_loop3A_325 = arith.mulf %parallel_loop3A_322, %parallel_loop3A_324 : vector<16xf32>
        %parallel_loop3A_326 = arith.addf %parallel_loop3A_323, %parallel_loop3A_325 : vector<16xf32>
        %parallel_loop3A_327 = tpu.vector_load_idx %arg8[%parallel_loop3A_297] : memref<4096xf32, #tpu.memory_space<vmem>>[vector<16xi32>], vector<16xf32>,
        %parallel_loop3A_328 = arith.mulf %parallel_loop3A_243, %parallel_loop3A_327 : vector<16xf32>
        %parallel_loop3A_329 = arith.mulf %parallel_loop3A_328, %parallel_loop3A_326 : vector<16xf32>
        %parallel_loop3A_330 = arith.constant 0.000000e+00 : f32
        %parallel_loop3A_331 = vector.broadcast %parallel_loop3A_330 : f32 to vector<16xf32>
        %parallel_loop3A_332 = arith.select %parallel_loop3A_307, %parallel_loop3A_329, %parallel_loop3A_331 : vector<16xi1>, vector<16xf32>
        %parallel_loop3A_333 = arith.mulf %parallel_loop3A_332, %parallel_loop3A_332 : vector<16xf32>
        %parallel_loop3A_334 = arith.mulf %parallel_loop3A_332, %parallel_loop3A_333 : vector<16xf32>
        %parallel_loop3A_335 = arith.constant 4.000000e-04 : f32
        %parallel_loop3A_336 = vector.broadcast %parallel_loop3A_335 : f32 to vector<16xf32>
        %parallel_loop3A_337 = arith.addf %parallel_loop3A_333, %parallel_loop3A_336 : vector<16xf32>
        %parallel_loop3A_338 = arith.divf %parallel_loop3A_334, %parallel_loop3A_337 : vector<16xf32>
        %parallel_loop3A_339 = arith.addf %parallel_loop3A_236, %parallel_loop3A_338 : vector<16xf32>
        %parallel_loop3A_340 = arith.constant 0 : i32
        %parallel_loop3A_341 = arith.constant 2 : i32
        %parallel_loop3A_342 = arith.index_cast %parallel_loop3A_340 : i32 to index
        %parallel_loop3A_343 = arith.index_cast %parallel_loop3A_341 : i32 to index
        %parallel_loop3A_344 = arith.index_cast %parallel_loop3A_239 : i32 to index
        %parallel_loop3A_345 = tpu.vector_load %arg10[%parallel_loop3A_342, %parallel_loop3A_343, %parallel_loop3A_344] {strides = array<i32>} : memref<2x4x4096xi32, #tpu.memory_space<vmem>>, vector<16xi32>,
        %parallel_loop3A_346 = arith.constant 0 : i32
        %parallel_loop3A_347 = arith.constant 2 : i32
        %parallel_loop3A_348 = arith.index_cast %parallel_loop3A_346 : i32 to index
        %parallel_loop3A_349 = arith.index_cast %parallel_loop3A_347 : i32 to index
        %parallel_loop3A_350 = arith.index_cast %parallel_loop3A_239 : i32 to index
        %parallel_loop3A_351 = tpu.vector_load %arg9[%parallel_loop3A_348, %parallel_loop3A_349, %parallel_loop3A_350] {strides = array<i32>} : memref<2x4x4096xf32, #tpu.memory_space<vmem>>, vector<16xf32>,
        %parallel_loop3A_352 = arith.subi %parallel_loop3A_345, %parallel_loop3A_241 : vector<16xi32>
        %parallel_loop3A_353 = arith.constant 10 : i32
        %parallel_loop3A_354 = vector.broadcast %parallel_loop3A_353 : i32 to vector<16xi32>
        %parallel_loop3A_355 = arith.cmpi ugt, %parallel_loop3A_352, %parallel_loop3A_354 : vector<16xi32>
        %parallel_loop3A_356 = arith.constant 2.560000e+02 : f32
        %parallel_loop3A_357 = vector.broadcast %parallel_loop3A_356 : f32 to vector<16xf32>
        %parallel_loop3A_358 = arith.mulf %parallel_loop3A_351, %parallel_loop3A_357 : vector<16xf32>
        %parallel_loop3A_359 = arith.constant 1016.02563 : f32
        %parallel_loop3A_360 = vector.broadcast %parallel_loop3A_359 : f32 to vector<16xf32>
        %parallel_loop3A_361 = arith.addf %parallel_loop3A_358, %parallel_loop3A_360 : vector<16xf32>
        %parallel_loop3A_362 = arith.constant 0.000000e+00 : f32
        %parallel_loop3A_363 = vector.broadcast %parallel_loop3A_362 : f32 to vector<16xf32>
        %parallel_loop3A_364 = arith.maximumf %parallel_loop3A_361, %parallel_loop3A_363 : vector<16xf32>
        %parallel_loop3A_365 = arith.constant 4095.99902 : f32
        %parallel_loop3A_366 = vector.broadcast %parallel_loop3A_365 : f32 to vector<16xf32>
        %parallel_loop3A_367 = arith.minimumf %parallel_loop3A_364, %parallel_loop3A_366 : vector<16xf32>
        %parallel_loop3A_368 = arith.fptosi %parallel_loop3A_367 : vector<16xf32> to vector<16xi32>
        %parallel_loop3A_369 = arith.sitofp %parallel_loop3A_368 : vector<16xi32> to vector<16xf32>
        %parallel_loop3A_370 = arith.subf %parallel_loop3A_367, %parallel_loop3A_369 : vector<16xf32>
        %parallel_loop3A_371 = tpu.vector_load_idx %arg12[%parallel_loop3A_368] : memref<4096xf32, #tpu.memory_space<vmem>>[vector<16xi32>], vector<16xf32>,
        %parallel_loop3A_372 = tpu.vector_load_idx %arg13[%parallel_loop3A_368] : memref<4096xf32, #tpu.memory_space<vmem>>[vector<16xi32>], vector<16xf32>,
        %parallel_loop3A_373 = arith.mulf %parallel_loop3A_370, %parallel_loop3A_372 : vector<16xf32>
        %parallel_loop3A_374 = arith.addf %parallel_loop3A_371, %parallel_loop3A_373 : vector<16xf32>
        %parallel_loop3A_375 = tpu.vector_load_idx %arg8[%parallel_loop3A_345] : memref<4096xf32, #tpu.memory_space<vmem>>[vector<16xi32>], vector<16xf32>,
        %parallel_loop3A_376 = arith.mulf %parallel_loop3A_243, %parallel_loop3A_375 : vector<16xf32>
        %parallel_loop3A_377 = arith.mulf %parallel_loop3A_376, %parallel_loop3A_374 : vector<16xf32>
        %parallel_loop3A_378 = arith.constant 0.000000e+00 : f32
        %parallel_loop3A_379 = vector.broadcast %parallel_loop3A_378 : f32 to vector<16xf32>
        %parallel_loop3A_380 = arith.select %parallel_loop3A_355, %parallel_loop3A_377, %parallel_loop3A_379 : vector<16xi1>, vector<16xf32>
        %parallel_loop3A_381 = arith.mulf %parallel_loop3A_380, %parallel_loop3A_380 : vector<16xf32>
        %parallel_loop3A_382 = arith.mulf %parallel_loop3A_380, %parallel_loop3A_381 : vector<16xf32>
        %parallel_loop3A_383 = arith.constant 4.000000e-04 : f32
        %parallel_loop3A_384 = vector.broadcast %parallel_loop3A_383 : f32 to vector<16xf32>
        %parallel_loop3A_385 = arith.addf %parallel_loop3A_381, %parallel_loop3A_384 : vector<16xf32>
        %parallel_loop3A_386 = arith.divf %parallel_loop3A_382, %parallel_loop3A_385 : vector<16xf32>
        %parallel_loop3A_387 = arith.addf %parallel_loop3A_237, %parallel_loop3A_386 : vector<16xf32>
        %parallel_loop3A_388 = arith.constant 0 : i32
        %parallel_loop3A_389 = arith.constant 3 : i32
        %parallel_loop3A_390 = arith.index_cast %parallel_loop3A_388 : i32 to index
        %parallel_loop3A_391 = arith.index_cast %parallel_loop3A_389 : i32 to index
        %parallel_loop3A_392 = arith.index_cast %parallel_loop3A_239 : i32 to index
        %parallel_loop3A_393 = tpu.vector_load %arg10[%parallel_loop3A_390, %parallel_loop3A_391, %parallel_loop3A_392] {strides = array<i32>} : memref<2x4x4096xi32, #tpu.memory_space<vmem>>, vector<16xi32>,
        %parallel_loop3A_394 = arith.constant 0 : i32
        %parallel_loop3A_395 = arith.constant 3 : i32
        %parallel_loop3A_396 = arith.index_cast %parallel_loop3A_394 : i32 to index
        %parallel_loop3A_397 = arith.index_cast %parallel_loop3A_395 : i32 to index
        %parallel_loop3A_398 = arith.index_cast %parallel_loop3A_239 : i32 to index
        %parallel_loop3A_399 = tpu.vector_load %arg9[%parallel_loop3A_396, %parallel_loop3A_397, %parallel_loop3A_398] {strides = array<i32>} : memref<2x4x4096xf32, #tpu.memory_space<vmem>>, vector<16xf32>,
        %parallel_loop3A_400 = arith.subi %parallel_loop3A_393, %parallel_loop3A_241 : vector<16xi32>
        %parallel_loop3A_401 = arith.constant 10 : i32
        %parallel_loop3A_402 = vector.broadcast %parallel_loop3A_401 : i32 to vector<16xi32>
        %parallel_loop3A_403 = arith.cmpi ugt, %parallel_loop3A_400, %parallel_loop3A_402 : vector<16xi32>
        %parallel_loop3A_404 = arith.constant 2.560000e+02 : f32
        %parallel_loop3A_405 = vector.broadcast %parallel_loop3A_404 : f32 to vector<16xf32>
        %parallel_loop3A_406 = arith.mulf %parallel_loop3A_399, %parallel_loop3A_405 : vector<16xf32>
        %parallel_loop3A_407 = arith.constant 1016.02563 : f32
        %parallel_loop3A_408 = vector.broadcast %parallel_loop3A_407 : f32 to vector<16xf32>
        %parallel_loop3A_409 = arith.addf %parallel_loop3A_406, %parallel_loop3A_408 : vector<16xf32>
        %parallel_loop3A_410 = arith.constant 0.000000e+00 : f32
        %parallel_loop3A_411 = vector.broadcast %parallel_loop3A_410 : f32 to vector<16xf32>
        %parallel_loop3A_412 = arith.maximumf %parallel_loop3A_409, %parallel_loop3A_411 : vector<16xf32>
        %parallel_loop3A_413 = arith.constant 4095.99902 : f32
        %parallel_loop3A_414 = vector.broadcast %parallel_loop3A_413 : f32 to vector<16xf32>
        %parallel_loop3A_415 = arith.minimumf %parallel_loop3A_412, %parallel_loop3A_414 : vector<16xf32>
        %parallel_loop3A_416 = arith.fptosi %parallel_loop3A_415 : vector<16xf32> to vector<16xi32>
        %parallel_loop3A_417 = arith.sitofp %parallel_loop3A_416 : vector<16xi32> to vector<16xf32>
        %parallel_loop3A_418 = arith.subf %parallel_loop3A_415, %parallel_loop3A_417 : vector<16xf32>
        %parallel_loop3A_419 = tpu.vector_load_idx %arg12[%parallel_loop3A_416] : memref<4096xf32, #tpu.memory_space<vmem>>[vector<16xi32>], vector<16xf32>,
        %parallel_loop3A_420 = tpu.vector_load_idx %arg13[%parallel_loop3A_416] : memref<4096xf32, #tpu.memory_space<vmem>>[vector<16xi32>], vector<16xf32>,
        %parallel_loop3A_421 = arith.mulf %parallel_loop3A_418, %parallel_loop3A_420 : vector<16xf32>
        %parallel_loop3A_422 = arith.addf %parallel_loop3A_419, %parallel_loop3A_421 : vector<16xf32>
        %parallel_loop3A_423 = tpu.vector_load_idx %arg8[%parallel_loop3A_393] : memref<4096xf32, #tpu.memory_space<vmem>>[vector<16xi32>], vector<16xf32>,
        %parallel_loop3A_424 = arith.mulf %parallel_loop3A_243, %parallel_loop3A_423 : vector<16xf32>
        %parallel_loop3A_425 = arith.mulf %parallel_loop3A_424, %parallel_loop3A_422 : vector<16xf32>
        %parallel_loop3A_426 = arith.constant 0.000000e+00 : f32
        %parallel_loop3A_427 = vector.broadcast %parallel_loop3A_426 : f32 to vector<16xf32>
        %parallel_loop3A_428 = arith.select %parallel_loop3A_403, %parallel_loop3A_425, %parallel_loop3A_427 : vector<16xi1>, vector<16xf32>
        %parallel_loop3A_429 = arith.mulf %parallel_loop3A_428, %parallel_loop3A_428 : vector<16xf32>
        %parallel_loop3A_430 = arith.mulf %parallel_loop3A_428, %parallel_loop3A_429 : vector<16xf32>
        %parallel_loop3A_431 = arith.constant 4.000000e-04 : f32
        %parallel_loop3A_432 = vector.broadcast %parallel_loop3A_431 : f32 to vector<16xf32>
        %parallel_loop3A_433 = arith.addf %parallel_loop3A_429, %parallel_loop3A_432 : vector<16xf32>
        %parallel_loop3A_434 = arith.divf %parallel_loop3A_430, %parallel_loop3A_433 : vector<16xf32>
        %parallel_loop3A_435 = arith.addf %parallel_loop3A_238, %parallel_loop3A_434 : vector<16xf32>
        scf.yield %parallel_loop3A_291, %parallel_loop3A_339, %parallel_loop3A_387, %parallel_loop3A_435 : vector<16xf32>, vector<16xf32>, vector<16xf32>, vector<16xf32>
      } {sc.loop_unroll_factor = 4 : i64, sc.parallel_access}
      %add3A_165 = arith.addf %parallel_loop3A_164#0, %parallel_loop3A_164#1 : vector<16xf32>
      %add3A_166 = arith.addf %add3A_165, %parallel_loop3A_164#2 : vector<16xf32>
      %add3A_167 = arith.addf %add3A_166, %parallel_loop3A_164#3 : vector<16xf32>
      %get3A = arith.constant 0 : index
      %get3A_168 = tpu.vector_load %arg11[%get3A] {strides = array<i32>} : memref<16xf32, #tpu.memory_space<vmem>>, vector<16xf32>,
      %add3A_169 = arith.addf %get3A_168, %add3A_167 : vector<16xf32>
      %swap3A_170 = arith.constant 0 : index
      %swap3A_171 = tpu.vector_load %arg11[%swap3A_170] {strides = array<i32>} : memref<16xf32, #tpu.memory_space<vmem>>, vector<16xf32>,
      tpu.vector_store %arg11[%swap3A_170], %add3A_169 {strides = array<i32>} : memref<16xf32, #tpu.memory_space<vmem>>, vector<16xf32>,
      %add3A_172 = arith.constant 2 : i32
      %add3A_173 = arith.addi %mul3A_80, %add3A_172 : i32
      %lt3A_174 = arith.constant 8 : i32
      %lt3A_175 = arith.cmpi slt, %add3A_173, %lt3A_174 : i32
      %convert_element_type3A = arith.extui %lt3A_175 : i1 to i32
      %cond3A = arith.constant 0 : i32
      %cond3A_176 = arith.cmpi ne, %convert_element_type3A, %cond3A : i32
      scf.if %cond3A_176 {
        %add3A_234 = arith.constant 2 : i32
        %add3A_235 = arith.addi %mul3A_80, %add3A_234 : i32
        %mul3A_236 = arith.constant 4 : i32
        %mul3A_237 = arith.muli %add3A_235, %mul3A_236 : i32
        %add3A_238 = arith.addi %mul3A_32, %mul3A_237 : i32
        %dma_start3A_239 = arith.constant 0 : i32
        %dma_start3A_240 = arith.constant 0 : i32
        %dma_start3A_241 = arith.constant 0 : i32
        %dma_start3A_242 = tpu.memref_slice %arg9[%dma_start3A_239, %dma_start3A_240, %dma_start3A_241] : memref<2x4x4096xf32, #tpu.memory_space<vmem>> -> memref<1x4x4096xf32, #tpu.memory_space<vmem>>
        %dma_start3A_243 = tpu.memref_squeeze %dma_start3A_242 : memref<1x4x4096xf32, #tpu.memory_space<vmem>> -> memref<4x4096xf32, #tpu.memory_space<vmem>>
        %dma_start3A_244 = arith.constant 0 : i32
        %dma_start3A_245 = tpu.memref_slice %arg3[%select_n3A, %add3A_238, %dma_start3A_244] : memref<16x64x4096xf32, #tpu.memory_space<hbm>> -> memref<1x4x4096xf32, #tpu.memory_space<hbm>>
        %dma_start3A_246 = tpu.memref_squeeze %dma_start3A_245 : memref<1x4x4096xf32, #tpu.memory_space<hbm>> -> memref<4x4096xf32, #tpu.memory_space<hbm>>
        %dma_start3A_247 = arith.constant 0 : i32
        %dma_start3A_248 = arith.constant 0 : i32
        %dma_start3A_249 = tpu.memref_slice %arg9[%dma_start3A_239, %dma_start3A_247, %dma_start3A_248] : memref<2x4x4096xf32, #tpu.memory_space<vmem>> -> memref<1x4x4096xf32, #tpu.memory_space<vmem>>
        %dma_start3A_250 = tpu.memref_squeeze %dma_start3A_249 : memref<1x4x4096xf32, #tpu.memory_space<vmem>> -> memref<4x4096xf32, #tpu.memory_space<vmem>>
        %dma_start3A_251 = arith.constant 0 : i32
        %dma_start3A_252 = tpu.memref_slice %arg3[%select_n3A, %add3A_238, %dma_start3A_251] : memref<16x64x4096xf32, #tpu.memory_space<hbm>> -> memref<1x4x4096xf32, #tpu.memory_space<hbm>>
        %dma_start3A_253 = tpu.memref_squeeze %dma_start3A_252 : memref<1x4x4096xf32, #tpu.memory_space<hbm>> -> memref<4x4096xf32, #tpu.memory_space<hbm>>
        tpu.enqueue_dma source(%dma_start3A_253 : memref<4x4096xf32, #tpu.memory_space<hbm>>) target(%dma_start3A_250 : memref<4x4096xf32, #tpu.memory_space<vmem>>) target_semaphore(%arg14 : memref<!tpu.dma_semaphore, #tpu.memory_space<semaphore_mem>>)
        %mul3A_254 = arith.constant 4 : i32
        %mul3A_255 = arith.muli %add3A_235, %mul3A_254 : i32
        %add3A_256 = arith.addi %mul3A_32, %mul3A_255 : i32
        %dma_start3A_257 = arith.constant 0 : i32
        %dma_start3A_258 = arith.constant 0 : i32
        %dma_start3A_259 = arith.constant 0 : i32
        %dma_start3A_260 = tpu.memref_slice %arg10[%dma_start3A_257, %dma_start3A_258, %dma_start3A_259] : memref<2x4x4096xi32, #tpu.memory_space<vmem>> -> memref<1x4x4096xi32, #tpu.memory_space<vmem>>
        %dma_start3A_261 = tpu.memref_squeeze %dma_start3A_260 : memref<1x4x4096xi32, #tpu.memory_space<vmem>> -> memref<4x4096xi32, #tpu.memory_space<vmem>>
        %dma_start3A_262 = arith.constant 0 : i32
        %dma_start3A_263 = tpu.memref_slice %arg4[%select_n3A, %add3A_256, %dma_start3A_262] : memref<16x64x4096xi32, #tpu.memory_space<hbm>> -> memref<1x4x4096xi32, #tpu.memory_space<hbm>>
        %dma_start3A_264 = tpu.memref_squeeze %dma_start3A_263 : memref<1x4x4096xi32, #tpu.memory_space<hbm>> -> memref<4x4096xi32, #tpu.memory_space<hbm>>
        %dma_start3A_265 = arith.constant 0 : i32
        %dma_start3A_266 = arith.constant 0 : i32
        %dma_start3A_267 = tpu.memref_slice %arg10[%dma_start3A_257, %dma_start3A_265, %dma_start3A_266] : memref<2x4x4096xi32, #tpu.memory_space<vmem>> -> memref<1x4x4096xi32, #tpu.memory_space<vmem>>
        %dma_start3A_268 = tpu.memref_squeeze %dma_start3A_267 : memref<1x4x4096xi32, #tpu.memory_space<vmem>> -> memref<4x4096xi32, #tpu.memory_space<vmem>>
        %dma_start3A_269 = arith.constant 0 : i32
        %dma_start3A_270 = tpu.memref_slice %arg4[%select_n3A, %add3A_256, %dma_start3A_269] : memref<16x64x4096xi32, #tpu.memory_space<hbm>> -> memref<1x4x4096xi32, #tpu.memory_space<hbm>>
        %dma_start3A_271 = tpu.memref_squeeze %dma_start3A_270 : memref<1x4x4096xi32, #tpu.memory_space<hbm>> -> memref<4x4096xi32, #tpu.memory_space<hbm>>
        tpu.enqueue_dma source(%dma_start3A_271 : memref<4x4096xi32, #tpu.memory_space<hbm>>) target(%dma_start3A_268 : memref<4x4096xi32, #tpu.memory_space<vmem>>) target_semaphore(%arg14 : memref<!tpu.dma_semaphore, #tpu.memory_space<semaphore_mem>>)
      } else {
      }
      %dma_wait3A_177 = arith.constant 0 : i32
      %dma_wait3A_178 = arith.constant 1 : i32
      %dma_wait3A_179 = arith.constant 0 : i32
      %dma_wait3A_180 = arith.constant 0 : i32
      %dma_wait3A_181 = tpu.memref_slice %arg9[%dma_wait3A_178, %dma_wait3A_179, %dma_wait3A_180] : memref<2x4x4096xf32, #tpu.memory_space<vmem>> -> memref<1x4x4096xf32, #tpu.memory_space<vmem>>
      %dma_wait3A_182 = tpu.memref_squeeze %dma_wait3A_181 : memref<1x4x4096xf32, #tpu.memory_space<vmem>> -> memref<4x4096xf32, #tpu.memory_space<vmem>>
      %dma_wait3A_183 = arith.constant 0 : i32
      %dma_wait3A_184 = arith.constant 0 : i32
      %dma_wait3A_185 = tpu.memref_slice %arg3[%dma_wait3A_177, %dma_wait3A_183, %dma_wait3A_184] : memref<16x64x4096xf32, #tpu.memory_space<hbm>> -> memref<1x4x4096xf32, #tpu.memory_space<hbm>>
      %dma_wait3A_186 = tpu.memref_squeeze %dma_wait3A_185 : memref<1x4x4096xf32, #tpu.memory_space<hbm>> -> memref<4x4096xf32, #tpu.memory_space<hbm>>
      %dma_wait3A_187 = arith.constant 0 : i32
      %dma_wait3A_188 = arith.constant 0 : i32
      %dma_wait3A_189 = tpu.memref_slice %arg9[%dma_wait3A_178, %dma_wait3A_187, %dma_wait3A_188] : memref<2x4x4096xf32, #tpu.memory_space<vmem>> -> memref<1x4x4096xf32, #tpu.memory_space<vmem>>
      %dma_wait3A_190 = tpu.memref_squeeze %dma_wait3A_189 : memref<1x4x4096xf32, #tpu.memory_space<vmem>> -> memref<4x4096xf32, #tpu.memory_space<vmem>>
      %dma_wait3A_191 = arith.constant 0 : i32
      %dma_wait3A_192 = arith.constant 0 : i32
      %dma_wait3A_193 = tpu.memref_slice %arg3[%dma_wait3A_177, %dma_wait3A_191, %dma_wait3A_192] : memref<16x64x4096xf32, #tpu.memory_space<hbm>> -> memref<1x4x4096xf32, #tpu.memory_space<hbm>>
      %dma_wait3A_194 = tpu.memref_squeeze %dma_wait3A_193 : memref<1x4x4096xf32, #tpu.memory_space<hbm>> -> memref<4x4096xf32, #tpu.memory_space<hbm>>
      tpu.wait_dma2 semaphore(%arg15 : memref<!tpu.dma_semaphore, #tpu.memory_space<semaphore_mem>>) src(%dma_wait3A_194 : memref<4x4096xf32, #tpu.memory_space<hbm>>) dst(%dma_wait3A_190 : memref<4x4096xf32, #tpu.memory_space<vmem>>)
      %dma_wait3A_195 = arith.constant 0 : i32
      %dma_wait3A_196 = arith.constant 1 : i32
      %dma_wait3A_197 = arith.constant 0 : i32
      %dma_wait3A_198 = arith.constant 0 : i32
      %dma_wait3A_199 = tpu.memref_slice %arg10[%dma_wait3A_196, %dma_wait3A_197, %dma_wait3A_198] : memref<2x4x4096xi32, #tpu.memory_space<vmem>> -> memref<1x4x4096xi32, #tpu.memory_space<vmem>>
      %dma_wait3A_200 = tpu.memref_squeeze %dma_wait3A_199 : memref<1x4x4096xi32, #tpu.memory_space<vmem>> -> memref<4x4096xi32, #tpu.memory_space<vmem>>
      %dma_wait3A_201 = arith.constant 0 : i32
      %dma_wait3A_202 = arith.constant 0 : i32
      %dma_wait3A_203 = tpu.memref_slice %arg4[%dma_wait3A_195, %dma_wait3A_201, %dma_wait3A_202] : memref<16x64x4096xi32, #tpu.memory_space<hbm>> -> memref<1x4x4096xi32, #tpu.memory_space<hbm>>
      %dma_wait3A_204 = tpu.memref_squeeze %dma_wait3A_203 : memref<1x4x4096xi32, #tpu.memory_space<hbm>> -> memref<4x4096xi32, #tpu.memory_space<hbm>>
      %dma_wait3A_205 = arith.constant 0 : i32
      %dma_wait3A_206 = arith.constant 0 : i32
      %dma_wait3A_207 = tpu.memref_slice %arg10[%dma_wait3A_196, %dma_wait3A_205, %dma_wait3A_206] : memref<2x4x4096xi32, #tpu.memory_space<vmem>> -> memref<1x4x4096xi32, #tpu.memory_space<vmem>>
      %dma_wait3A_208 = tpu.memref_squeeze %dma_wait3A_207 : memref<1x4x4096xi32, #tpu.memory_space<vmem>> -> memref<4x4096xi32, #tpu.memory_space<vmem>>
      %dma_wait3A_209 = arith.constant 0 : i32
      %dma_wait3A_210 = arith.constant 0 : i32
      %dma_wait3A_211 = tpu.memref_slice %arg4[%dma_wait3A_195, %dma_wait3A_209, %dma_wait3A_210] : memref<16x64x4096xi32, #tpu.memory_space<hbm>> -> memref<1x4x4096xi32, #tpu.memory_space<hbm>>
      %dma_wait3A_212 = tpu.memref_squeeze %dma_wait3A_211 : memref<1x4x4096xi32, #tpu.memory_space<hbm>> -> memref<4x4096xi32, #tpu.memory_space<hbm>>
      tpu.wait_dma2 semaphore(%arg15 : memref<!tpu.dma_semaphore, #tpu.memory_space<semaphore_mem>>) src(%dma_wait3A_212 : memref<4x4096xi32, #tpu.memory_space<hbm>>) dst(%dma_wait3A_208 : memref<4x4096xi32, #tpu.memory_space<vmem>>)
      %broadcast_in_dim3A_213 = arith.constant 0.000000e+00 : f32
      %broadcast_in_dim3A_214 = vector.broadcast %broadcast_in_dim3A_213 : f32 to vector<16xf32>
      %broadcast_in_dim3A_215 = arith.constant 0.000000e+00 : f32
      %broadcast_in_dim3A_216 = vector.broadcast %broadcast_in_dim3A_215 : f32 to vector<16xf32>
      %broadcast_in_dim3A_217 = arith.constant 0.000000e+00 : f32
      %broadcast_in_dim3A_218 = vector.broadcast %broadcast_in_dim3A_217 : f32 to vector<16xf32>
      %broadcast_in_dim3A_219 = arith.constant 0.000000e+00 : f32
      %broadcast_in_dim3A_220 = vector.broadcast %broadcast_in_dim3A_219 : f32 to vector<16xf32>
      %parallel_loop3A_221 = arith.constant 0 : i32
      %parallel_loop3A_222 = arith.constant 4096 : i32
      %parallel_loop3A_223 = arith.constant 16 : i32
      %parallel_loop3A_224:4 = scf.for %parallel_loop3A_234 = %parallel_loop3A_221 to %parallel_loop3A_222 step %parallel_loop3A_223 iter_args(%parallel_loop3A_235 = %broadcast_in_dim3A_214, %parallel_loop3A_236 = %broadcast_in_dim3A_216, %parallel_loop3A_237 = %broadcast_in_dim3A_218, %parallel_loop3A_238 = %broadcast_in_dim3A_220) -> (vector<16xf32>, vector<16xf32>, vector<16xf32>, vector<16xf32>)  : i32 {
        %parallel_loop3A_239 = tpu.assume_multiple %parallel_loop3A_234, 16 : i32
        %parallel_loop3A_240 = vector.broadcast %parallel_loop3A_239 : i32 to vector<16xi32>
        %parallel_loop3A_241 = arith.addi %parallel_loop3A_240, %sub3A_35 : vector<16xi32>
        %parallel_loop3A_242 = arith.index_cast %parallel_loop3A_239 : i32 to index
        %parallel_loop3A_243 = tpu.vector_load %arg8[%parallel_loop3A_242] {strides = array<i32>} : memref<4096xf32, #tpu.memory_space<vmem>>, vector<16xf32>,
        %parallel_loop3A_244 = arith.constant 1 : i32
        %parallel_loop3A_245 = arith.constant 0 : i32
        %parallel_loop3A_246 = arith.index_cast %parallel_loop3A_244 : i32 to index
        %parallel_loop3A_247 = arith.index_cast %parallel_loop3A_245 : i32 to index
        %parallel_loop3A_248 = arith.index_cast %parallel_loop3A_239 : i32 to index
        %parallel_loop3A_249 = tpu.vector_load %arg10[%parallel_loop3A_246, %parallel_loop3A_247, %parallel_loop3A_248] {strides = array<i32>} : memref<2x4x4096xi32, #tpu.memory_space<vmem>>, vector<16xi32>,
        %parallel_loop3A_250 = arith.constant 1 : i32
        %parallel_loop3A_251 = arith.constant 0 : i32
        %parallel_loop3A_252 = arith.index_cast %parallel_loop3A_250 : i32 to index
        %parallel_loop3A_253 = arith.index_cast %parallel_loop3A_251 : i32 to index
        %parallel_loop3A_254 = arith.index_cast %parallel_loop3A_239 : i32 to index
        %parallel_loop3A_255 = tpu.vector_load %arg9[%parallel_loop3A_252, %parallel_loop3A_253, %parallel_loop3A_254] {strides = array<i32>} : memref<2x4x4096xf32, #tpu.memory_space<vmem>>, vector<16xf32>,
        %parallel_loop3A_256 = arith.subi %parallel_loop3A_249, %parallel_loop3A_241 : vector<16xi32>
        %parallel_loop3A_257 = arith.constant 10 : i32
        %parallel_loop3A_258 = vector.broadcast %parallel_loop3A_257 : i32 to vector<16xi32>
        %parallel_loop3A_259 = arith.cmpi ugt, %parallel_loop3A_256, %parallel_loop3A_258 : vector<16xi32>
        %parallel_loop3A_260 = arith.constant 2.560000e+02 : f32
        %parallel_loop3A_261 = vector.broadcast %parallel_loop3A_260 : f32 to vector<16xf32>
        %parallel_loop3A_262 = arith.mulf %parallel_loop3A_255, %parallel_loop3A_261 : vector<16xf32>
        %parallel_loop3A_263 = arith.constant 1016.02563 : f32
        %parallel_loop3A_264 = vector.broadcast %parallel_loop3A_263 : f32 to vector<16xf32>
        %parallel_loop3A_265 = arith.addf %parallel_loop3A_262, %parallel_loop3A_264 : vector<16xf32>
        %parallel_loop3A_266 = arith.constant 0.000000e+00 : f32
        %parallel_loop3A_267 = vector.broadcast %parallel_loop3A_266 : f32 to vector<16xf32>
        %parallel_loop3A_268 = arith.maximumf %parallel_loop3A_265, %parallel_loop3A_267 : vector<16xf32>
        %parallel_loop3A_269 = arith.constant 4095.99902 : f32
        %parallel_loop3A_270 = vector.broadcast %parallel_loop3A_269 : f32 to vector<16xf32>
        %parallel_loop3A_271 = arith.minimumf %parallel_loop3A_268, %parallel_loop3A_270 : vector<16xf32>
        %parallel_loop3A_272 = arith.fptosi %parallel_loop3A_271 : vector<16xf32> to vector<16xi32>
        %parallel_loop3A_273 = arith.sitofp %parallel_loop3A_272 : vector<16xi32> to vector<16xf32>
        %parallel_loop3A_274 = arith.subf %parallel_loop3A_271, %parallel_loop3A_273 : vector<16xf32>
        %parallel_loop3A_275 = tpu.vector_load_idx %arg12[%parallel_loop3A_272] : memref<4096xf32, #tpu.memory_space<vmem>>[vector<16xi32>], vector<16xf32>,
        %parallel_loop3A_276 = tpu.vector_load_idx %arg13[%parallel_loop3A_272] : memref<4096xf32, #tpu.memory_space<vmem>>[vector<16xi32>], vector<16xf32>,
        %parallel_loop3A_277 = arith.mulf %parallel_loop3A_274, %parallel_loop3A_276 : vector<16xf32>
        %parallel_loop3A_278 = arith.addf %parallel_loop3A_275, %parallel_loop3A_277 : vector<16xf32>
        %parallel_loop3A_279 = tpu.vector_load_idx %arg8[%parallel_loop3A_249] : memref<4096xf32, #tpu.memory_space<vmem>>[vector<16xi32>], vector<16xf32>,
        %parallel_loop3A_280 = arith.mulf %parallel_loop3A_243, %parallel_loop3A_279 : vector<16xf32>
        %parallel_loop3A_281 = arith.mulf %parallel_loop3A_280, %parallel_loop3A_278 : vector<16xf32>
        %parallel_loop3A_282 = arith.constant 0.000000e+00 : f32
        %parallel_loop3A_283 = vector.broadcast %parallel_loop3A_282 : f32 to vector<16xf32>
        %parallel_loop3A_284 = arith.select %parallel_loop3A_259, %parallel_loop3A_281, %parallel_loop3A_283 : vector<16xi1>, vector<16xf32>
        %parallel_loop3A_285 = arith.mulf %parallel_loop3A_284, %parallel_loop3A_284 : vector<16xf32>
        %parallel_loop3A_286 = arith.mulf %parallel_loop3A_284, %parallel_loop3A_285 : vector<16xf32>
        %parallel_loop3A_287 = arith.constant 4.000000e-04 : f32
        %parallel_loop3A_288 = vector.broadcast %parallel_loop3A_287 : f32 to vector<16xf32>
        %parallel_loop3A_289 = arith.addf %parallel_loop3A_285, %parallel_loop3A_288 : vector<16xf32>
        %parallel_loop3A_290 = arith.divf %parallel_loop3A_286, %parallel_loop3A_289 : vector<16xf32>
        %parallel_loop3A_291 = arith.addf %parallel_loop3A_235, %parallel_loop3A_290 : vector<16xf32>
        %parallel_loop3A_292 = arith.constant 1 : i32
        %parallel_loop3A_293 = arith.constant 1 : i32
        %parallel_loop3A_294 = arith.index_cast %parallel_loop3A_292 : i32 to index
        %parallel_loop3A_295 = arith.index_cast %parallel_loop3A_293 : i32 to index
        %parallel_loop3A_296 = arith.index_cast %parallel_loop3A_239 : i32 to index
        %parallel_loop3A_297 = tpu.vector_load %arg10[%parallel_loop3A_294, %parallel_loop3A_295, %parallel_loop3A_296] {strides = array<i32>} : memref<2x4x4096xi32, #tpu.memory_space<vmem>>, vector<16xi32>,
        %parallel_loop3A_298 = arith.constant 1 : i32
        %parallel_loop3A_299 = arith.constant 1 : i32
        %parallel_loop3A_300 = arith.index_cast %parallel_loop3A_298 : i32 to index
        %parallel_loop3A_301 = arith.index_cast %parallel_loop3A_299 : i32 to index
        %parallel_loop3A_302 = arith.index_cast %parallel_loop3A_239 : i32 to index
        %parallel_loop3A_303 = tpu.vector_load %arg9[%parallel_loop3A_300, %parallel_loop3A_301, %parallel_loop3A_302] {strides = array<i32>} : memref<2x4x4096xf32, #tpu.memory_space<vmem>>, vector<16xf32>,
        %parallel_loop3A_304 = arith.subi %parallel_loop3A_297, %parallel_loop3A_241 : vector<16xi32>
        %parallel_loop3A_305 = arith.constant 10 : i32
        %parallel_loop3A_306 = vector.broadcast %parallel_loop3A_305 : i32 to vector<16xi32>
        %parallel_loop3A_307 = arith.cmpi ugt, %parallel_loop3A_304, %parallel_loop3A_306 : vector<16xi32>
        %parallel_loop3A_308 = arith.constant 2.560000e+02 : f32
        %parallel_loop3A_309 = vector.broadcast %parallel_loop3A_308 : f32 to vector<16xf32>
        %parallel_loop3A_310 = arith.mulf %parallel_loop3A_303, %parallel_loop3A_309 : vector<16xf32>
        %parallel_loop3A_311 = arith.constant 1016.02563 : f32
        %parallel_loop3A_312 = vector.broadcast %parallel_loop3A_311 : f32 to vector<16xf32>
        %parallel_loop3A_313 = arith.addf %parallel_loop3A_310, %parallel_loop3A_312 : vector<16xf32>
        %parallel_loop3A_314 = arith.constant 0.000000e+00 : f32
        %parallel_loop3A_315 = vector.broadcast %parallel_loop3A_314 : f32 to vector<16xf32>
        %parallel_loop3A_316 = arith.maximumf %parallel_loop3A_313, %parallel_loop3A_315 : vector<16xf32>
        %parallel_loop3A_317 = arith.constant 4095.99902 : f32
        %parallel_loop3A_318 = vector.broadcast %parallel_loop3A_317 : f32 to vector<16xf32>
        %parallel_loop3A_319 = arith.minimumf %parallel_loop3A_316, %parallel_loop3A_318 : vector<16xf32>
        %parallel_loop3A_320 = arith.fptosi %parallel_loop3A_319 : vector<16xf32> to vector<16xi32>
        %parallel_loop3A_321 = arith.sitofp %parallel_loop3A_320 : vector<16xi32> to vector<16xf32>
        %parallel_loop3A_322 = arith.subf %parallel_loop3A_319, %parallel_loop3A_321 : vector<16xf32>
        %parallel_loop3A_323 = tpu.vector_load_idx %arg12[%parallel_loop3A_320] : memref<4096xf32, #tpu.memory_space<vmem>>[vector<16xi32>], vector<16xf32>,
        %parallel_loop3A_324 = tpu.vector_load_idx %arg13[%parallel_loop3A_320] : memref<4096xf32, #tpu.memory_space<vmem>>[vector<16xi32>], vector<16xf32>,
        %parallel_loop3A_325 = arith.mulf %parallel_loop3A_322, %parallel_loop3A_324 : vector<16xf32>
        %parallel_loop3A_326 = arith.addf %parallel_loop3A_323, %parallel_loop3A_325 : vector<16xf32>
        %parallel_loop3A_327 = tpu.vector_load_idx %arg8[%parallel_loop3A_297] : memref<4096xf32, #tpu.memory_space<vmem>>[vector<16xi32>], vector<16xf32>,
        %parallel_loop3A_328 = arith.mulf %parallel_loop3A_243, %parallel_loop3A_327 : vector<16xf32>
        %parallel_loop3A_329 = arith.mulf %parallel_loop3A_328, %parallel_loop3A_326 : vector<16xf32>
        %parallel_loop3A_330 = arith.constant 0.000000e+00 : f32
        %parallel_loop3A_331 = vector.broadcast %parallel_loop3A_330 : f32 to vector<16xf32>
        %parallel_loop3A_332 = arith.select %parallel_loop3A_307, %parallel_loop3A_329, %parallel_loop3A_331 : vector<16xi1>, vector<16xf32>
        %parallel_loop3A_333 = arith.mulf %parallel_loop3A_332, %parallel_loop3A_332 : vector<16xf32>
        %parallel_loop3A_334 = arith.mulf %parallel_loop3A_332, %parallel_loop3A_333 : vector<16xf32>
        %parallel_loop3A_335 = arith.constant 4.000000e-04 : f32
        %parallel_loop3A_336 = vector.broadcast %parallel_loop3A_335 : f32 to vector<16xf32>
        %parallel_loop3A_337 = arith.addf %parallel_loop3A_333, %parallel_loop3A_336 : vector<16xf32>
        %parallel_loop3A_338 = arith.divf %parallel_loop3A_334, %parallel_loop3A_337 : vector<16xf32>
        %parallel_loop3A_339 = arith.addf %parallel_loop3A_236, %parallel_loop3A_338 : vector<16xf32>
        %parallel_loop3A_340 = arith.constant 1 : i32
        %parallel_loop3A_341 = arith.constant 2 : i32
        %parallel_loop3A_342 = arith.index_cast %parallel_loop3A_340 : i32 to index
        %parallel_loop3A_343 = arith.index_cast %parallel_loop3A_341 : i32 to index
        %parallel_loop3A_344 = arith.index_cast %parallel_loop3A_239 : i32 to index
        %parallel_loop3A_345 = tpu.vector_load %arg10[%parallel_loop3A_342, %parallel_loop3A_343, %parallel_loop3A_344] {strides = array<i32>} : memref<2x4x4096xi32, #tpu.memory_space<vmem>>, vector<16xi32>,
        %parallel_loop3A_346 = arith.constant 1 : i32
        %parallel_loop3A_347 = arith.constant 2 : i32
        %parallel_loop3A_348 = arith.index_cast %parallel_loop3A_346 : i32 to index
        %parallel_loop3A_349 = arith.index_cast %parallel_loop3A_347 : i32 to index
        %parallel_loop3A_350 = arith.index_cast %parallel_loop3A_239 : i32 to index
        %parallel_loop3A_351 = tpu.vector_load %arg9[%parallel_loop3A_348, %parallel_loop3A_349, %parallel_loop3A_350] {strides = array<i32>} : memref<2x4x4096xf32, #tpu.memory_space<vmem>>, vector<16xf32>,
        %parallel_loop3A_352 = arith.subi %parallel_loop3A_345, %parallel_loop3A_241 : vector<16xi32>
        %parallel_loop3A_353 = arith.constant 10 : i32
        %parallel_loop3A_354 = vector.broadcast %parallel_loop3A_353 : i32 to vector<16xi32>
        %parallel_loop3A_355 = arith.cmpi ugt, %parallel_loop3A_352, %parallel_loop3A_354 : vector<16xi32>
        %parallel_loop3A_356 = arith.constant 2.560000e+02 : f32
        %parallel_loop3A_357 = vector.broadcast %parallel_loop3A_356 : f32 to vector<16xf32>
        %parallel_loop3A_358 = arith.mulf %parallel_loop3A_351, %parallel_loop3A_357 : vector<16xf32>
        %parallel_loop3A_359 = arith.constant 1016.02563 : f32
        %parallel_loop3A_360 = vector.broadcast %parallel_loop3A_359 : f32 to vector<16xf32>
        %parallel_loop3A_361 = arith.addf %parallel_loop3A_358, %parallel_loop3A_360 : vector<16xf32>
        %parallel_loop3A_362 = arith.constant 0.000000e+00 : f32
        %parallel_loop3A_363 = vector.broadcast %parallel_loop3A_362 : f32 to vector<16xf32>
        %parallel_loop3A_364 = arith.maximumf %parallel_loop3A_361, %parallel_loop3A_363 : vector<16xf32>
        %parallel_loop3A_365 = arith.constant 4095.99902 : f32
        %parallel_loop3A_366 = vector.broadcast %parallel_loop3A_365 : f32 to vector<16xf32>
        %parallel_loop3A_367 = arith.minimumf %parallel_loop3A_364, %parallel_loop3A_366 : vector<16xf32>
        %parallel_loop3A_368 = arith.fptosi %parallel_loop3A_367 : vector<16xf32> to vector<16xi32>
        %parallel_loop3A_369 = arith.sitofp %parallel_loop3A_368 : vector<16xi32> to vector<16xf32>
        %parallel_loop3A_370 = arith.subf %parallel_loop3A_367, %parallel_loop3A_369 : vector<16xf32>
        %parallel_loop3A_371 = tpu.vector_load_idx %arg12[%parallel_loop3A_368] : memref<4096xf32, #tpu.memory_space<vmem>>[vector<16xi32>], vector<16xf32>,
        %parallel_loop3A_372 = tpu.vector_load_idx %arg13[%parallel_loop3A_368] : memref<4096xf32, #tpu.memory_space<vmem>>[vector<16xi32>], vector<16xf32>,
        %parallel_loop3A_373 = arith.mulf %parallel_loop3A_370, %parallel_loop3A_372 : vector<16xf32>
        %parallel_loop3A_374 = arith.addf %parallel_loop3A_371, %parallel_loop3A_373 : vector<16xf32>
        %parallel_loop3A_375 = tpu.vector_load_idx %arg8[%parallel_loop3A_345] : memref<4096xf32, #tpu.memory_space<vmem>>[vector<16xi32>], vector<16xf32>,
        %parallel_loop3A_376 = arith.mulf %parallel_loop3A_243, %parallel_loop3A_375 : vector<16xf32>
        %parallel_loop3A_377 = arith.mulf %parallel_loop3A_376, %parallel_loop3A_374 : vector<16xf32>
        %parallel_loop3A_378 = arith.constant 0.000000e+00 : f32
        %parallel_loop3A_379 = vector.broadcast %parallel_loop3A_378 : f32 to vector<16xf32>
        %parallel_loop3A_380 = arith.select %parallel_loop3A_355, %parallel_loop3A_377, %parallel_loop3A_379 : vector<16xi1>, vector<16xf32>
        %parallel_loop3A_381 = arith.mulf %parallel_loop3A_380, %parallel_loop3A_380 : vector<16xf32>
        %parallel_loop3A_382 = arith.mulf %parallel_loop3A_380, %parallel_loop3A_381 : vector<16xf32>
        %parallel_loop3A_383 = arith.constant 4.000000e-04 : f32
        %parallel_loop3A_384 = vector.broadcast %parallel_loop3A_383 : f32 to vector<16xf32>
        %parallel_loop3A_385 = arith.addf %parallel_loop3A_381, %parallel_loop3A_384 : vector<16xf32>
        %parallel_loop3A_386 = arith.divf %parallel_loop3A_382, %parallel_loop3A_385 : vector<16xf32>
        %parallel_loop3A_387 = arith.addf %parallel_loop3A_237, %parallel_loop3A_386 : vector<16xf32>
        %parallel_loop3A_388 = arith.constant 1 : i32
        %parallel_loop3A_389 = arith.constant 3 : i32
        %parallel_loop3A_390 = arith.index_cast %parallel_loop3A_388 : i32 to index
        %parallel_loop3A_391 = arith.index_cast %parallel_loop3A_389 : i32 to index
        %parallel_loop3A_392 = arith.index_cast %parallel_loop3A_239 : i32 to index
        %parallel_loop3A_393 = tpu.vector_load %arg10[%parallel_loop3A_390, %parallel_loop3A_391, %parallel_loop3A_392] {strides = array<i32>} : memref<2x4x4096xi32, #tpu.memory_space<vmem>>, vector<16xi32>,
        %parallel_loop3A_394 = arith.constant 1 : i32
        %parallel_loop3A_395 = arith.constant 3 : i32
        %parallel_loop3A_396 = arith.index_cast %parallel_loop3A_394 : i32 to index
        %parallel_loop3A_397 = arith.index_cast %parallel_loop3A_395 : i32 to index
        %parallel_loop3A_398 = arith.index_cast %parallel_loop3A_239 : i32 to index
        %parallel_loop3A_399 = tpu.vector_load %arg9[%parallel_loop3A_396, %parallel_loop3A_397, %parallel_loop3A_398] {strides = array<i32>} : memref<2x4x4096xf32, #tpu.memory_space<vmem>>, vector<16xf32>,
        %parallel_loop3A_400 = arith.subi %parallel_loop3A_393, %parallel_loop3A_241 : vector<16xi32>
        %parallel_loop3A_401 = arith.constant 10 : i32
        %parallel_loop3A_402 = vector.broadcast %parallel_loop3A_401 : i32 to vector<16xi32>
        %parallel_loop3A_403 = arith.cmpi ugt, %parallel_loop3A_400, %parallel_loop3A_402 : vector<16xi32>
        %parallel_loop3A_404 = arith.constant 2.560000e+02 : f32
        %parallel_loop3A_405 = vector.broadcast %parallel_loop3A_404 : f32 to vector<16xf32>
        %parallel_loop3A_406 = arith.mulf %parallel_loop3A_399, %parallel_loop3A_405 : vector<16xf32>
        %parallel_loop3A_407 = arith.constant 1016.02563 : f32
        %parallel_loop3A_408 = vector.broadcast %parallel_loop3A_407 : f32 to vector<16xf32>
        %parallel_loop3A_409 = arith.addf %parallel_loop3A_406, %parallel_loop3A_408 : vector<16xf32>
        %parallel_loop3A_410 = arith.constant 0.000000e+00 : f32
        %parallel_loop3A_411 = vector.broadcast %parallel_loop3A_410 : f32 to vector<16xf32>
        %parallel_loop3A_412 = arith.maximumf %parallel_loop3A_409, %parallel_loop3A_411 : vector<16xf32>
        %parallel_loop3A_413 = arith.constant 4095.99902 : f32
        %parallel_loop3A_414 = vector.broadcast %parallel_loop3A_413 : f32 to vector<16xf32>
        %parallel_loop3A_415 = arith.minimumf %parallel_loop3A_412, %parallel_loop3A_414 : vector<16xf32>
        %parallel_loop3A_416 = arith.fptosi %parallel_loop3A_415 : vector<16xf32> to vector<16xi32>
        %parallel_loop3A_417 = arith.sitofp %parallel_loop3A_416 : vector<16xi32> to vector<16xf32>
        %parallel_loop3A_418 = arith.subf %parallel_loop3A_415, %parallel_loop3A_417 : vector<16xf32>
        %parallel_loop3A_419 = tpu.vector_load_idx %arg12[%parallel_loop3A_416] : memref<4096xf32, #tpu.memory_space<vmem>>[vector<16xi32>], vector<16xf32>,
        %parallel_loop3A_420 = tpu.vector_load_idx %arg13[%parallel_loop3A_416] : memref<4096xf32, #tpu.memory_space<vmem>>[vector<16xi32>], vector<16xf32>,
        %parallel_loop3A_421 = arith.mulf %parallel_loop3A_418, %parallel_loop3A_420 : vector<16xf32>
        %parallel_loop3A_422 = arith.addf %parallel_loop3A_419, %parallel_loop3A_421 : vector<16xf32>
        %parallel_loop3A_423 = tpu.vector_load_idx %arg8[%parallel_loop3A_393] : memref<4096xf32, #tpu.memory_space<vmem>>[vector<16xi32>], vector<16xf32>,
        %parallel_loop3A_424 = arith.mulf %parallel_loop3A_243, %parallel_loop3A_423 : vector<16xf32>
        %parallel_loop3A_425 = arith.mulf %parallel_loop3A_424, %parallel_loop3A_422 : vector<16xf32>
        %parallel_loop3A_426 = arith.constant 0.000000e+00 : f32
        %parallel_loop3A_427 = vector.broadcast %parallel_loop3A_426 : f32 to vector<16xf32>
        %parallel_loop3A_428 = arith.select %parallel_loop3A_403, %parallel_loop3A_425, %parallel_loop3A_427 : vector<16xi1>, vector<16xf32>
        %parallel_loop3A_429 = arith.mulf %parallel_loop3A_428, %parallel_loop3A_428 : vector<16xf32>
        %parallel_loop3A_430 = arith.mulf %parallel_loop3A_428, %parallel_loop3A_429 : vector<16xf32>
        %parallel_loop3A_431 = arith.constant 4.000000e-04 : f32
        %parallel_loop3A_432 = vector.broadcast %parallel_loop3A_431 : f32 to vector<16xf32>
        %parallel_loop3A_433 = arith.addf %parallel_loop3A_429, %parallel_loop3A_432 : vector<16xf32>
        %parallel_loop3A_434 = arith.divf %parallel_loop3A_430, %parallel_loop3A_433 : vector<16xf32>
        %parallel_loop3A_435 = arith.addf %parallel_loop3A_238, %parallel_loop3A_434 : vector<16xf32>
        scf.yield %parallel_loop3A_291, %parallel_loop3A_339, %parallel_loop3A_387, %parallel_loop3A_435 : vector<16xf32>, vector<16xf32>, vector<16xf32>, vector<16xf32>
      } {sc.loop_unroll_factor = 4 : i64, sc.parallel_access}
      %add3A_225 = arith.addf %parallel_loop3A_224#0, %parallel_loop3A_224#1 : vector<16xf32>
      %add3A_226 = arith.addf %add3A_225, %parallel_loop3A_224#2 : vector<16xf32>
      %add3A_227 = arith.addf %add3A_226, %parallel_loop3A_224#3 : vector<16xf32>
      %get3A_228 = arith.constant 0 : index
      %get3A_229 = tpu.vector_load %arg11[%get3A_228] {strides = array<i32>} : memref<16xf32, #tpu.memory_space<vmem>>, vector<16xf32>,
      %add3A_230 = arith.addf %get3A_229, %add3A_227 : vector<16xf32>
      %swap3A_231 = arith.constant 0 : index
      %swap3A_232 = tpu.vector_load %arg11[%swap3A_231] {strides = array<i32>} : memref<16xf32, #tpu.memory_space<vmem>>, vector<16xf32>,
      tpu.vector_store %arg11[%swap3A_231], %add3A_230 {strides = array<i32>} : memref<16xf32, #tpu.memory_space<vmem>>, vector<16xf32>,
      %scan3A_233 = arith.constant 0 : i32
      scf.yield %scan3A_233 : i32
    }
    %scan3A_76 = arith.constant 4 : i32
    "tpu.region"() ({
      %run_scoped3A = tpu.sem_alloc : memref<!tpu.dma_semaphore, #tpu.memory_space<semaphore_mem>>
      %dma_start3A_77 = arith.constant 0 : i32
      %dma_start3A_78 = tpu.memref_slice %arg7[%add3A, %dma_start3A_77] : memref<32x16xf32, #tpu.memory_space<hbm>> -> memref<1x16xf32, #tpu.memory_space<hbm>>
      %dma_start3A_79 = tpu.memref_squeeze %dma_start3A_78 : memref<1x16xf32, #tpu.memory_space<hbm>> -> memref<16xf32, #tpu.memory_space<hbm>>
      %dma_start3A_80 = arith.constant 0 : i32
      %dma_start3A_81 = tpu.memref_slice %arg7[%add3A, %dma_start3A_80] : memref<32x16xf32, #tpu.memory_space<hbm>> -> memref<1x16xf32, #tpu.memory_space<hbm>>
      %dma_start3A_82 = tpu.memref_squeeze %dma_start3A_81 : memref<1x16xf32, #tpu.memory_space<hbm>> -> memref<16xf32, #tpu.memory_space<hbm>>
      tpu.enqueue_dma source(%arg11 : memref<16xf32, #tpu.memory_space<vmem>>) target(%dma_start3A_82 : memref<16xf32, #tpu.memory_space<hbm>>) target_semaphore(%run_scoped3A : memref<!tpu.dma_semaphore, #tpu.memory_space<semaphore_mem>>)
      %dma_wait3A = arith.constant 0 : i32
      %dma_wait3A_83 = tpu.memref_slice %arg7[%add3A, %dma_wait3A] : memref<32x16xf32, #tpu.memory_space<hbm>> -> memref<1x16xf32, #tpu.memory_space<hbm>>
      %dma_wait3A_84 = tpu.memref_squeeze %dma_wait3A_83 : memref<1x16xf32, #tpu.memory_space<hbm>> -> memref<16xf32, #tpu.memory_space<hbm>>
      %dma_wait3A_85 = arith.constant 0 : i32
      %dma_wait3A_86 = tpu.memref_slice %arg7[%add3A, %dma_wait3A_85] : memref<32x16xf32, #tpu.memory_space<hbm>> -> memref<1x16xf32, #tpu.memory_space<hbm>>
      %dma_wait3A_87 = tpu.memref_squeeze %dma_wait3A_86 : memref<1x16xf32, #tpu.memory_space<hbm>> -> memref<16xf32, #tpu.memory_space<hbm>>
      tpu.wait_dma2 semaphore(%run_scoped3A : memref<!tpu.dma_semaphore, #tpu.memory_space<semaphore_mem>>) src(%arg11 : memref<16xf32, #tpu.memory_space<vmem>>) dst(%dma_wait3A_87 : memref<16xf32, #tpu.memory_space<hbm>>)
      tpu.yield
    }) : () -> ()
    return
  }
}

</mosaic_0001>

<sc_bundles>
// kernel: kernel.3.cloned.1.call-start
scs
__scs_entry_jumppad:
0x0: {  	(pc) =	sbr.rel $0x88, $3  }
0x1: {  	(tag) =	ssettag $0x0;
	lr =	simm.s32 $0x1  }
0x2: {  	[smem:$0x3F9D] =	sst lr;
	_ =	strace $0xD0000000  }
0x3: {  	_ = 	snop  }
0x4: {  	_ = 	snop  }
0x5: {  	_ = 	snop  }
0x6: {  	_ = 	snop  }
0x7: {  	_ = 	snop  }
__scs_overlays_trampoline_lowered:
0x8: {  	[smem:$0x3FAC] =	sst s0  }
0x9: {  	[smem:$0x3FAD] =	sst s1  }
0xa: {  	[smem:$0x3FAE] =	sst s2  }
0xb: {  	[smem:$0x3FAF] =	sst s3  }
0xc: {  	[smem:$0x3FB0] =	sst s4  }
0xd: {  	[smem:$0x3FB1] =	sst s5  }
0xe: {  	[smem:$0x3FB2] =	sst s6  }
0xf: {  	[smem:$0x3FB3] =	sst s7  }
0x10: {  	[smem:$0x3FB4] =	sst s8  }
0x11: {  	[smem:$0x3FB5] =	sst s9;
	s0 =	simm.s32 @!p0 $0x0  }
0x12: {  	s1 =	sld [smem:$0x3F9B];
	s0 =	simm.s32 @p0 $0x1  }
0x13: {  	[smem:$0x3FB6] =	sst s0;
	s0 =	simm.s32 @!p1 $0x0  }
0x14: {  	s2 =	sld [smem:$0x3F9A];
	s0 =	simm.s32 @p1 $0x1  }
0x15: {  	[smem:$0x3FB7] =	sst s0;
	s0 =	simm.s32 @!p2 $0x0  }
0x16: {  	s3 =	sld [smem:$0x3FDB];
	s0 =	simm.s32 @p2 $0x1  }
0x17: {  	s4 =	simm.s32 $0x1BF5;
	[smem:$0x3FB9] =	sst s0  }
0x18: {  	s0 =	sld [smem:$0x3F9C];
	_ =	swait.ge [sflag:s4], $0x0  }
0x19: {  	s7 =	sld [smem:$0x3F9D]  }
0x1a: {  	s8 =	sadd.s32 $0xFFFFE003, lr  }
0x1b: {  	s9 =	sadd.s32 $0xFFFFFEF7, lr;
	s5 =	simm.s32 $0xFFFFFFFF;
	p2 =	slt.u32 s8, $0xFFFFF086  }
0x1c: {  	p1 =	slt.u32 s9, $0xF7A;
	s5 =	simm.s32 @!p2 $0x0  }
0x1d: {  	s5 =	simm.s32 @p1 $0x1;
	p0 =	seq.s32 s7, s2  }
0x1e: {  	s7 =	smul.u32 @!p0 $0xF7A, s2;
	p2 =	seq.s32 @!p0 s5, $0x0  }
0x1f: {  	s9 =	smul.u32 $0xF7A, s1;
	s8 =	simm.s32 @!p0 $0x1BF5;
	p2 =	por !p2, p0  }
0x20: {  	[sflag:s8] =	ssyncset.s32 @!p0 $0xFFFFF086;
	s6 =	sadd.s32 @!p0 s3, s7;
	s7 =	simm.s32 @!p0 $0x108  }
0x21: {  	s3 =	sadd.s32 s3, s9;
	s6 =	sadd.s32 @!p0 $0x88, s6;
	s7 =	simm.s32 @p2 $0x1082  }
0x22: {  	[simem:s7], [sflag:s8] =	dma.local @!p0 [hbm:s6], $0xF7A  }
0x23: {  	s9 =	sor.u32 $0xD0000000, s2;
	s6 =	simm.s32 $0x108;
	_ =	swait.ge @!p0 [sflag:s8], $0x0  }
0x24: {  	s3 =	sadd.s32 $0x88, s3;
	s6 =	simm.s32 @!p1 $0x1082;
	[sflag:s4] =	ssyncset.s32 $0xFFFFF086  }
0x25: {  	[simem:s6], [sflag:s4] =	dma.local [hbm:s3], $0xF7A  }
0x26: {  	[smem:$0x3F9D] =	sst s1;
	(tag) =	ssettag s2;
	_ =	strace s9  }
0x27: {  	s1 =	sld [smem:$0x3FAD]  }
0x28: {  	s2 =	sld [smem:$0x3FAE]  }
0x29: {  	s4 =	sld [smem:$0x3FB0]  }
0x2a: {  	p0 =	seq.s32 s5, $0x0;
	s5 =	sld [smem:$0x3FB1]  }
0x2b: {  	s6 =	sld [smem:$0x3FB2]  }
0x2c: {  	s7 =	sld [smem:$0x3FB3]  }
0x2d: {  	s3 =	simm.s32 $0x108;
	s8 =	sld [smem:$0x3FB4]  }
0x2e: {  	s3 =	simm.s32 @!p0 $0x1082;
	s9 =	sld [smem:$0x3FB5]  }
0x2f: {  	lr =	sadd.s32 s0, s3;
	s0 =	sld [smem:$0x3FAC]  }
0x30: {  	s3 =	sld [smem:$0x3FAF]  }
0x31: {  	[smem:$0x3FB8] =	sst s10  }
0x32: {  	s10 =	sld [smem:$0x3FB6];
	_ =	sdelay $0x3  }
0x33: {  	p0 =	seq.s32 s10, $0x1;
	s10 =	sld [smem:$0x3FB8];
	_ =	sdelay $0x3  }
0x34: {  	[smem:$0x3FB8] =	sst s10  }
0x35: {  	s10 =	sld [smem:$0x3FB7];
	_ =	sdelay $0x3  }
0x36: {  	p1 =	seq.s32 s10, $0x1;
	s10 =	sld [smem:$0x3FB8];
	_ =	sdelay $0x3  }
0x37: {  	[smem:$0x3FB8] =	sst s10  }
0x38: {  	s10 =	sld [smem:$0x3FB9]  }
0x39: {  	_ = 	snop;
	(pc) =	sbr.ind lr, $3  }
0x3a: {  	_ = 	snop  }
0x3b: {  	_ = 	snop  }
0x3c: {  	p2 =	seq.s32 s10, $0x1;
	s10 =	sld [smem:$0x3FB8]  }
0x3d: {  	_ =	shalt  }
0x3e: {  	_ =	shalt  }
0x3f: {  	_ =	shalt  }
0x40: {  	_ =	shalt  }
0x41: {  	_ =	shalt  }
0x42: {  	_ =	shalt  }
0x43: {  	_ =	shalt  }
0x44: {  	_ =	shalt  }
0x45: {  	_ =	shalt  }
0x46: {  	_ =	shalt  }
0x47: {  	_ =	shalt  }
0x48: {  	_ =	shalt  }
0x49: {  	_ =	shalt  }
0x4a: {  	_ =	shalt  }
0x4b: {  	_ =	shalt  }
0x4c: {  	_ =	shalt  }
0x4d: {  	_ =	shalt  }
0x4e: {  	_ =	shalt  }
0x4f: {  	_ =	shalt  }
0x50: {  	_ =	shalt  }
0x51: {  	_ =	shalt  }
0x52: {  	_ =	shalt  }
0x53: {  	_ =	shalt  }
0x54: {  	_ =	shalt  }
0x55: {  	_ =	shalt  }
0x56: {  	_ =	shalt  }
0x57: {  	_ =	shalt  }
0x58: {  	_ =	shalt  }
0x59: {  	_ =	shalt  }
0x5a: {  	_ =	shalt  }
0x5b: {  	_ =	shalt  }
0x5c: {  	_ =	shalt  }
0x5d: {  	_ =	shalt  }
0x5e: {  	_ =	shalt  }
0x5f: {  	_ =	shalt  }
0x60: {  	_ =	shalt  }
0x61: {  	_ =	shalt  }
0x62: {  	_ =	shalt  }
0x63: {  	_ =	shalt  }
0x64: {  	_ =	shalt  }
0x65: {  	_ =	shalt  }
0x66: {  	_ =	shalt  }
0x67: {  	_ =	shalt  }
0x68: {  	_ =	shalt  }
0x69: {  	_ =	shalt  }
0x6a: {  	_ =	shalt  }
0x6b: {  	_ =	shalt  }
0x6c: {  	_ =	shalt  }
0x6d: {  	_ =	shalt  }
0x6e: {  	_ =	shalt  }
0x6f: {  	_ =	shalt  }
0x70: {  	_ =	shalt  }
0x71: {  	_ =	shalt  }
0x72: {  	_ =	shalt  }
0x73: {  	_ =	shalt  }
0x74: {  	_ =	shalt  }
0x75: {  	_ =	shalt  }
0x76: {  	_ =	shalt  }
0x77: {  	_ =	shalt  }
0x78: {  	_ =	shalt  }
0x79: {  	_ =	shalt  }
0x7a: {  	_ =	shalt  }
0x7b: {  	_ =	shalt  }
0x7c: {  	_ =	shalt  }
0x7d: {  	_ =	shalt  }
0x7e: {  	_ =	shalt  }
0x7f: {  	_ =	shalt  }
0x80: {  	_ =	shalt  }
0x81: {  	_ =	shalt  }
0x82: {  	_ =	shalt  }
0x83: {  	_ =	shalt  }
0x84: {  	_ =	shalt  }
0x85: {  	_ =	shalt  }
0x86: {  	_ =	shalt  }
0x87: {  	_ =	shalt  }
.Lfunc_end0:
.L_simem_size_0:
called_computation_lowered:
.L_overlay_start_0:
0x88: {  	s2 =	sld [smem:$0x3FD9]  }
0x89: {  	s3 =	sld [smem:$0x3FFE];
	_ =	sdelay $0x1  }
0x8a: {  	s1 =	srdreg.scid  }
0x8b: {  	s0 =	sand.u32 $0x1, s1  }
0x8c: {  	s17 =	sshll.u32 s0, $0xA;
	s2 =	sadd.s32 s3, s2  }
0x8d: {  	s2 =	sadd.s32 s2, s17  }
0x8e: {  	[smem:$0x3FC4] =	sst s2  }
0x8f: {  	_ = 	snop  }
0x90: {  	s2 =	sld [smem:$0x3FC8]  }
0x91: {  	s18 =	sld [smem:$0x3FC7];
	(tm) =	ssettm $0x1  }
0x92: {  	s4 =	sld [smem:$0x3FFB];
	_ =	sdelay $0x3  }
0x93: {  	_ =	strace s4  }
0x94: {  	s4 =	sld [smem:$0x3FFC];
	_ =	sdelay $0x3  }
0x95: {  	_ =	strace s4  }
0x96: {  	s4 =	sld [smem:$0x3FFD];
	_ =	sdelay $0x3  }
0x97: {  	_ =	strace s4  }
0x98: {  	_ =	strace $0x8FFFFFFF  }
0x99: {  	s19 =	sld [smem:$0x3FDB];
	_ =	sdelay $0x1  }
0x9a: {  	s5 =	simm.s32 $_scs_section_size  }
0x9b: {  	s6 =	simm.s32 $_size__tile_overlayer_lowered;
	s7 =	simm.s32 $_tile_overlayer_lowered  }
0x9c: {  	s22 =	simm.s32 $0x1BFF;
	s21 =	sshll.u32 s7, $0x1;
	s4 =	sadd.s32 s5, s19  }
0x9d: {  	s8 =	simm.s32 $0x0;
	s20 =	sshll.u32 s6, $0x1;
	s6 =	sadd.s32 s21, s4  }
0x9e: {  	[timem:s8], [sflag:s22] =	dma.local [hbm:s6], s20  }
0x9f: {  	_ =	swait.ge [sflag:s22], s20  }
0xa0: {  	s5 =	ssub.s32 $0x0, s20;
	[sflag:s22] =	ssyncset.done $0x0  }
0xa1: {  	[sflag:s22] =	ssyncadd.s32 s5;
	_ =	sdelay $0x1  }
0xa2: {  	s23 =	simm.s32 $0x1B8B  }
0xa3: {  	_ =	swait.ge [sflag:s23], $0x1  }
0xa4: {  	[sflag:s23] =	ssyncset.done $0x0  }
0xa5: {  	s25 =	simm.s32 $0x1B8E;
	s24 =	sld [smem:$0x3FFE];
	[sflag:s23] =	ssyncadd.s32 $0xFFFFFFFF  }
0xa6: {  	s26 =	simm.s32 $execute0_lowered;
	[smem:$0x3FD2] =	sst s25  }
0xa7: {  	s6 =	sshll.u32 s26, $0x1;
	_ =	strace $0x80000046;
	[dreg:$0x1] =	wrdreg $0xFFFFFFFF  }
0xa8: {  	s28 =	simm.s32 $_size_execute0_lowered;
	s4 =	sadd.s32 s4, s6;
	[dreg:$0x0] =	wrdreg $0x0  }
0xa9: {  	s6 =	sshll.u32 s28, $0x1;
	[dreg:$0x2] =	wrdreg s4  }
0xaa: {  	[dreg:$0x3] =	wrdreg s6  }
0xab: {  	[dreg:$0x4] =	wrdreg $0xC0  }
0xac: {  	_ =	task [dreg:s8], $0x5FFFF  }
0xad: {  	[dreg:$0x1] =	wrdreg $0xFFFFFFFF  }
0xae: {  	[dreg:$0x0] =	wrdreg $0x60  }
0xaf: {  	[dreg:$0x2] =	wrdreg s24  }
0xb0: {  	[dreg:$0x3] =	wrdreg s2  }
0xb1: {  	[dreg:$0x4] =	wrdreg s18  }
0xb2: {  	[dreg:$0x5] =	wrdreg $0x9  }
0xb3: {  	_ =	task.clear_ibuf [dreg:s8], $0x6FFFF;
	_ =	strace $0x90000046  }
0xb4: {  	s29 =	simm.s32 $0x9;
	_ =	strace $0x80000048  }
0xb5: {  	_ =	swait.ge [sflag:s29], $0x1  }
0xb6: {  	[sflag:s29] =	ssyncadd.s32 $0xFFFFFFFF  }
0xb7: {  	_ =	strace $0x90000048  }
0xb8: {  	_ =	sfence  }
0xb9: {  	s30 =	sld [smem:$0x0];
	_ =	sdelay $0x2  }
0xba: {  	s31 =	sshll.u32 s1, $0xD;
	s1 =	sshrl.u32 s1, $0x2  }
0xbb: {  	s3 =	sand.u32 $0x4000, s31;
	s1 =	sadd.s32 s1, s30  }
0xbc: {  	s0 =	sor.u32 s3, s0;
	s1 =	sshll.u32 s1, $0x11  }
0xbd: {  	s0 =	sor.u32 s1, s0  }
0xbe: {  	s0 =	sadd.s32 $0x8F2B, s0  }
0xbf: {  	[sflag:s0] =	ssyncadd.remote.s32 $0x1  }
0xc0: {  	_ =	sfence.sel $0xFFFF  }
0xc1: {  	[dreg:$0x0] =	wrdreg $0xFFFFFFFF;
	(pc) =	sbr.abs _section_cstart, $3  }
0xc2: {  	[dreg:$0x1] =	wrdreg $0xFFFFFFFF  }
0xc3: {  	_ =	task.clear_ibuf [dreg:s8], $0x2FFFF;
	_ =	strace $0x9FFFFFFF  }
0xc4: {  	(tm) =	ssettm $0x7FFFFFFF  }
0xc5: {  	_ =	shalt  }
tec
execute0_lowered:
.L_overlay_start_1:
0x0: {  	(tag) =	ssettag $0x1  }
0x1: {  	s0 =	rddreg [dreg:$0x0]  }
0x2: {  	s2 =	rddreg [dreg:$0x1]  }
0x3: {  	s3 =	rddreg [dreg:$0x2]  }
0x4: {  	s1 =	srdreg.scid;
	s7 =	stileid.u32  }
0x5: {  	s4 =	simm.s32 $0x0;
	s15 =	simm.s32 $0x200;
	s16 =	simm.s32 $0x400  }
0x6: {  	s19 =	simm.s32 $0x11080;
	s20 =	simm.s32 $0x3;
	s21 =	simm.s32 $0x12080  }
0x7: {  	s23 =	simm.s32 $0x5000;
	s24 =	simm.s32 $0xD000;
	s1 =	sand.u32 $0x1, s1  }
0x8: {  	s5 =	sshll.u32 s7, $0x1;
	[smem:$0x7FF] =	sst s4;
	s6 =	sadd.s32 $0x2000, s0  }
0x9: {  	s25 =	sadd.s32 $0x2200, s0;
	s5 =	sor.u32 s1, s5;
	_ =	strace $0x80000047  }
0xa: {  	p1 =	seq.s32 s1, $0x1;
	[dreg:$0x4] =	wrdreg s6;
	p0 =	seq.s32 s5, $0x0  }
0xb: {  	s28 =	simm.s32 $0x0;
	[dreg:$0x5] =	wrdreg s25;
	p0 =	por !p0, !p1  }
0xc: {  	s6 =	simm.s32 $0x1;
	s8 =	ssub.s32 $0x2, s1;
	p0 =	por !p0, !p0  }
0xd: {  	s1 =	sshll.u32 s1, $0x11;
	s25 =	simm.s32 $0x2;
	s6 =	simm.s32 @!p0 $0x0  }
0xe: {  	s5 =	sshll.u32 s5, $0x4;
	s9 =	sshrl.u32 s8, $0x1;
	s6 =	ssub.s32 s7, s6  }
0xf: {  	s5 =	sadd.s32 s5, s0;
	s9 =	ssub.s32 s8, s9;
	s7 =	sshll.u32 s6, $0x12  }
0x10: {  	s10 =	sshll.u32 s6, $0xC;
	s6 =	sshll.u32 s6, $0x7;
	s7 =	sor.u32 s1, s7  }
0x11: {  	s26 =	sand.u32 $0xFFFF8000, s10;
	s6 =	sand.u32 $0x380, s6;
	s29 =	sshrl.u32 s7, $0x3  }
0x12: {  	s8 =	simm.s32 $0x1;
	s1 =	sor.u32 s6, s26;
	s30 =	sadd.s32 s2, s29  }
0x13: {  	v0 =	vlaneseq.u32;
	s1 =	sshrl.u32 s1, $0x3;
	s31 =	sadd.s32 s3, s29;
	[dreg:$0x6] =	wrdreg s30  }
0x14: {  	v6 =	vadd.s32 $0xFFFFFFFB, v0;
	s13 =	sadd.s32 $0x2400, s5;
	[dreg:$0x7] =	wrdreg s31;
	s0 =	sadd.s32 s0, s1  }
0x15: {  	[tilespmem:$0x1FFF0] =	vst v6;
	s14 =	smax.u32 s9, $0x1;
	s12 =	sor.u32 $0x8000, s7;
	[dreg:$0x8] =	wrdreg s0  }
.LBB2_1:
0x16: {  	s0 =	rddreg [dreg:$0x6];
	s1 =	simm.s32 $0x1000  }
0x17: {  	[tilespmem:s1], [sflag:$0x1] =	stream.strided.gather [hbm4b:s0+s15], $0x4000, s16, s15, $0x38;
	[tilespmem:$0x13080] =	vst v63  }
0x18: {  	s17 =	rddreg [dreg:$0x7];
	s18 =	simm.s32 $0x9000  }
0x19: {  	v0 =	vimm.f32 $0.0e+00;
	[tilespmem:s18], [sflag:$0x1] =	stream.strided.gather [hbm4b:s17+s15], $0x4000, s16, s15, $0x38;
	[tilespmem:$0x13080] =	vst v63  }
0x1a: {  	s22 =	rddreg [dreg:$0x4];
	[tilespmem:$0x11000] =	vst v0  }
0x1b: {  	[tilespmem:s19], [sflag:$0x3] =	stream.linear.gather [hbm4b:s22+s4], $0x1000, $0x38;
	[tilespmem:$0x13080] =	vst v63  }
0x1c: {  	_ =	swait.ge [sflag:s20], $0x1000  }
0x1d: {  	[sflag:s20] =	ssyncset.done $0x0  }
0x1e: {  	s26 =	rddreg [dreg:$0x5];
	[sflag:s20] =	ssyncadd.s32 $0xFFFFF000  }
0x1f: {  	[tilespmem:s21], [sflag:$0x3] =	stream.linear.gather [hbm4b:s26+s4], $0x1000, $0x38;
	[tilespmem:$0x13080] =	vst v63  }
0x20: {  	_ =	swait.ge [sflag:s20], $0x1000  }
0x21: {  	[sflag:s20] =	ssyncset.done $0x0  }
0x22: {  	s31 =	simm.s32 $0x80;
	s30 =	rddreg [dreg:$0x8];
	[sflag:s20] =	ssyncadd.s32 $0xFFFFF000  }
0x23: {  	[tilespmem:s4], [sflag:$0x3] =	stream.strided.gather [hbm4b:s30+s31], $0x1000, s16, s31, $0x38;
	[tilespmem:$0x13080] =	vst v63  }
0x24: {  	_ =	swait.ge [sflag:s20], $0x1000  }
0x25: {  	[sflag:s20] =	ssyncset.done $0x0  }
0x26: {  	s29 =	simm.s32 $0x0;
	[sflag:s20] =	ssyncadd.s32 $0xFFFFF000  }
.LBB2_2:
0x27: {  	s30 =	sshll.u32 s29, $0xF  }
0x28: {  	s0 =	sor.u32 s30, s7  }
0x29: {  	s0 =	sshrl.u32 s0, $0x3  }
0x2a: {  	s0 =	sor.u32 $0x40, s0  }
0x2b: {  	s1 =	sadd.s32 s2, s0  }
0x2c: {  	[tilespmem:s23], [sflag:$0x2] =	stream.strided.gather [hbm4b:s1+s15], $0x4000, s16, s15, $0x38;
	[tilespmem:$0x13080] =	vst v63  }
0x2d: {  	s0 =	sadd.s32 s3, s0  }
0x2e: {  	[tilespmem:s24], [sflag:$0x2] =	stream.strided.gather [hbm4b:s0+s15], $0x4000, s16, s15, $0x38;
	[tilespmem:$0x13080] =	vst v63  }
0x2f: {  	_ =	swait.ge [sflag:s8], $0x4000  }
0x30: {  	[sflag:s8] =	ssyncset.done $0x0  }
0x31: {  	[sflag:s8] =	ssyncadd.s32 $0xFFFFC000  }
0x32: {  	s31 =	simm.s32 $0x0;
	s0 =	simm.s32 $0x30;
	_ =	swait.ge [sflag:s8], $0x4000  }
0x33: {  	s11 =	sand.u32 $0x3E00, s31;
	s5 =	sand.u32 $0x70, s0;
	[sflag:s8] =	ssyncset.done $0x0  }
0x34: {  	s6 =	simm.s32 $0x20;
	s5 =	sor.u32 s5, s11;
	[sflag:s8] =	ssyncadd.s32 $0xFFFFC000  }
0x35: {  	s9 =	sand.u32 $0x60, s6;
	v0 =	vld [tilespmem:s5+$0x9000]  }
0x36: {  	s10 =	simm.s32 $0x10;
	s9 =	sor.u32 s9, s11;
	v1 =	vld [tilespmem:s5+$0x9080]  }
0x37: {  	s17 =	sand.u32 $0x50, s10;
	v41 =	vld [tilespmem:s9+$0x9000]  }
0x38: {  	s17 =	sor.u32 s17, s11;
	v12 =	vld [tilespmem:s9+$0x9080]  }
0x39: {  	s18 =	sand.u32 $0x40, s31;
	v11 =	vld [tilespmem:s17+$0x9000]  }
0x3a: {  	s1 =	sor.u32 s18, s11;
	v10 =	vld [tilespmem:s17+$0x9080]  }
0x3b: {  	v9 =	vld [tilespmem:s1+$0x9000]  }
0x3c: {  	v3 =	vld [tilespmem:s1+$0x9080]  }
0x3d: {  	v2 =	vld [tilespmem:s5+$0x1000]  }
0x3e: {  	v4 =	vld [tilespmem:s5+$0x1080]  }
0x3f: {  	v5 =	vld [tilespmem:s9+$0x1000]  }
0x40: {  	p0 =	por $0x0, $0x0;
	v7 =	vld [tilespmem:s9+$0x1080];
	s5 =	simm.s32 $0x1  }
0x41: {  	v8 =	vld [tilespmem:s17+$0x1000];
	s5 =	simm.s32 @!p0 $0x0  }
0x42: {  	v13 =	vld [tilespmem:s17+$0x1080];
	s5 =	sshll.u32 s5, $0x6  }
0x43: {  	v14 =	vld [tilespmem:s1+$0x1000];
	s5 =	sadd.s32 $0x0, s5  }
0x44: {  	s17 =	sand.u32 $0x7, s31;
	v15 =	vld [tilespmem:s1+$0x1080];
	s18 =	sor.u32 $0x100, s5  }
0x45: {  	s9 =	sshll.u32 s17, $0x4;
	s5 =	sor.u32 $0x180, s5;
	v16 =	vld [tilespmem:s18+$0x9000]  }
0x46: {  	s22 =	sand.u32 $0x3, s31;
	s9 =	sadd.s32 $0x0, s9;
	v17 =	vld [tilespmem:s5+$0x9000]  }
0x47: {  	s17 =	sshll.u32 s22, $0x5;
	s26 =	sadd.s32 $0x30, s9;
	v18 =	vld [tilespmem:s18+$0x1000]  }
0x48: {  	s11 =	sadd.s32 $0x0, s17;
	s17 =	sor.u32 $0x100, s26;
	v21 =	vld [tilespmem:s5+$0x1000]  }
0x49: {  	s9 =	sadd.s32 $0x10, s9;
	s1 =	sor.u32 $0x180, s26;
	v45 =	vld [tilespmem:s17+$0x9000]  }
0x4a: {  	s22 =	sor.u32 $0x100, s9;
	v28 =	vld [tilespmem:s1+$0x9000]  }
0x4b: {  	v19 =	vadd.s32 s31, v6;
	v22 =	vadd.s32 s6, v6;
	v20 =	vadd.s32 s0, v6;
	s0 =	sadd.s32 $0x20, s11;
	s9 =	sor.u32 $0x180, s9;
	v35 =	vld [tilespmem:s22+$0x9000]  }
0x4c: {  	v23 =	vadd.s32 s10, v6;
	v24 =	vsub.s32 v0, v20;
	v26 =	vsub.s32 v1, v20;
	s18 =	sor.u32 $0x100, s0;
	v37 =	vld [tilespmem:s9+$0x9000]  }
0x4d: {  	v27 =	vsub.s32 v41, v22;
	v29 =	vsub.s32 v11, v23;
	s0 =	sor.u32 $0x180, s0;
	v2 =	vmul.f32 $2.560000000e+02, v2;
	v31 =	vld [tilespmem:s18+$0x9000]  }
0x4e: {  	v30 =	vsub.s32 v12, v22;
	v5 =	vmul.f32 $2.560000000e+02, v5;
	v4 =	vmul.f32 $2.560000000e+02, v4;
	v33 =	vld [tilespmem:s0+$0x9000]  }
0x4f: {  	v8 =	vmul.f32 $2.560000000e+02, v8;
	v34 =	vsub.s32 v9, v19;
	vm5 =	vgt.u32 v24, $0xA;
	v24 =	vld [tilespmem:s17+$0x1000]  }
0x50: {  	v36 =	vsub.s32 v3, v19;
	vm6 =	vgt.u32 v26, $0xA;
	vm7 =	vgt.u32 v27, $0xA;
	v27 =	vld [tilespmem:s18+$0x1000]  }
0x51: {  	vm2 =	vgt.u32 v29, $0xA;
	vm4 =	vgt.u32 v30, $0xA;
	v61 =	vadd.f32 $1.016025630e+03, v4;
	v4 =	vld [tilespmem:s22+$0x1000]  }
0x52: {  	v26 =	vld [tilespmem:s1+$0x1000];
	vm1 =	vgt.u32 v36, $0xA;
	v29 =	vadd.f32 $1.016025630e+03, v2;
	v2 =	vadd.f32 $1.016025630e+03, v5  }
0x53: {  	v30 =	vld [tilespmem:s0+$0x1000];
	v62 =	vadd.f32 $1.016025630e+03, v8;
	v8 =	vsub.s32 v16, v19;
	v5 =	vsub.s32 v33, v22  }
0x54: {  	s26 =	simm.s32 $0x0;
	v39 =	vsub.s32 v17, v19;
	v19 =	vld [tilespmem:s9+$0x1000];
	v36 =	vsub.s32 v45, v20;
	[tilespmem:$0x1FEE0] =	vst v5;
	v5 =	vsub.s32 v35, v23  }
0x55: {  	v42 =	vsub.s32 v28, v20;
	v20 =	vmul.f32 $2.560000000e+02, v24;
	v44 =	vld [tilespmem:s26+$0x30];
	[tilespmem:$0x1FEF0] =	vst v5;
	v5 =	vsub.s32 v37, v23  }
0x56: {  	v24 =	vmul.f32 $2.560000000e+02, v27;
	v27 =	vmul.f32 $2.560000000e+02, v4;
	v4 =	vld [tilespmem:s26+$0x20];
	[tilespmem:$0x1FF00] =	vst v5  }
0x57: {  	v6 =	vld [tilespmem:s26+$0x10]  }
0x58: {  	vm0 =	vgt.u32 v34, $0xA;
	v34 =	vld [tilespmem:s26+$0x0]  }
0x59: {  	v7 =	vmul.f32 $2.560000000e+02, v7;
	v0 =	vld.idx.msk [tilespmem:v0+s4+$0x0], $0xffff  }
0x5a: {  	v1 =	vld.idx.msk [tilespmem:v1+s4+$0x0], $0xffff  }
0x5b: {  	v38 =	vadd.f32 $1.016025630e+03, v7;
	v7 =	vmul.f32 $2.560000000e+02, v19;
	v19 =	vmax.f32 v2, $0.0e+00;
	v2 =	vld.idx.msk [tilespmem:v41+s4+$0x0], $0xffff  }
0x5c: {  	v11 =	vld.idx.msk [tilespmem:v11+s4+$0x0], $0xffff  }
0x5d: {  	v32 =	vsub.s32 v10, v23;
	v13 =	vmul.f32 $2.560000000e+02, v13;
	v10 =	vld.idx.msk [tilespmem:v10+s4+$0x0], $0xffff  }
0x5e: {  	v9 =	vld.idx.msk [tilespmem:v9+s4+$0x0], $0xffff  }
0x5f: {  	v13 =	vadd.f32 $1.016025630e+03, v13;
	v18 =	vmul.f32 $2.560000000e+02, v18;
	v3 =	vld.idx.msk [tilespmem:v3+s4+$0x0], $0xffff  }
0x60: {  	v29 =	vmax.f32 v29, $0.0e+00;
	v51 =	vld.idx.msk [tilespmem:v16+s4+$0x0], $0xffff  }
0x61: {  	v13 =	vmax.f32 v13, $0.0e+00;
	v29 =	vmin.f32 v29, $4.095999020e+03;
	v18 =	vadd.f32 $1.016025630e+03, v18;
	v52 =	vld.idx.msk [tilespmem:v17+s4+$0x0], $0xffff  }
0x62: {  	v57 =	vmin.f32 v13, $4.095999020e+03;
	v13 =	vtrunc.f32 v29;
	v16 =	vld.idx.msk [tilespmem:v45+s4+$0x0], $0xffff  }
0x63: {  	v50 =	vcvt.f32.s32 v13;
	v13 =	vmax.f32 v18, $0.0e+00;
	v17 =	vld.idx.msk [tilespmem:v28+s4+$0x0], $0xffff  }
0x64: {  	v14 =	vmul.f32 $2.560000000e+02, v14;
	v46 =	vmin.f32 v13, $4.095999020e+03;
	v13 =	vld.idx.msk [tilespmem:v31+s4+$0x0], $0xffff;
	v0 =	vmul.f32 v0, v44  }
0x65: {  	v15 =	vmul.f32 $2.560000000e+02, v15;
	v58 =	vmin.f32 v19, $4.095999020e+03;
	v19 =	vadd.f32 $1.016025630e+03, v20;
	v20 =	vld.idx.msk [tilespmem:v12+s4+$0x0], $0xffff  }
0x66: {  	v14 =	vadd.f32 $1.016025630e+03, v14;
	v18 =	vld.idx.msk [tilespmem:v33+s4+$0x0], $0xffff;
	[tilespmem:$0x1FF10] =	vst v0;
	v0 =	vmul.f32 v1, v44  }
0x67: {  	vm3 =	vgt.u32 v32, $0xA;
	v15 =	vadd.f32 $1.016025630e+03, v15;
	v63 =	vmax.f32 v62, $0.0e+00  }
0x68: {  	v38 =	vmax.f32 v38, $0.0e+00;
	v14 =	vmax.f32 v14, $0.0e+00;
	[tilespmem:$0x1FF20] =	vst v0;
	v0 =	vmul.f32 v2, v4  }
0x69: {  	v15 =	vmax.f32 v15, $0.0e+00;
	v40 =	vsub.s32 v31, v22;
	v22 =	vmul.f32 $2.560000000e+02, v26  }
0x6a: {  	v26 =	vmul.f32 $2.560000000e+02, v30;
	v30 =	vmax.f32 v61, $0.0e+00;
	v59 =	vld.idx.msk [tilespmem:v35+s4+$0x0], $0xffff;
	[tilespmem:$0x1FF30] =	vst v0;
	v0 =	vmul.f32 v20, v4  }
0x6b: {  	v21 =	vmul.f32 $2.560000000e+02, v21;
	v38 =	vmin.f32 v38, $4.095999020e+03;
	v43 =	vmin.f32 v30, $4.095999020e+03  }
0x6c: {  	v25 =	vmin.f32 v63, $4.095999020e+03;
	v30 =	vtrunc.f32 v43;
	[tilespmem:$0x1FF40] =	vst v0;
	v0 =	vmul.f32 v11, v6  }
0x6d: {  	v48 =	vmin.f32 v14, $4.095999020e+03;
	v14 =	vtrunc.f32 v25;
	v30 =	vcvt.f32.s32 v30  }
0x6e: {  	v21 =	vadd.f32 $1.016025630e+03, v21;
	v41 =	vtrunc.f32 v38;
	v60 =	vld.idx.msk [tilespmem:v37+s4+$0x0], $0xffff;
	[tilespmem:$0x1FF50] =	vst v0;
	v0 =	vmul.f32 v10, v6  }
0x6f: {  	v12 =	vadd.f32 $1.016025630e+03, v22;
	v22 =	vadd.f32 $1.016025630e+03, v24;
	v24 =	vtrunc.f32 v58  }
0x70: {  	v55 =	vmin.f32 v15, $4.095999020e+03;
	v24 =	vcvt.f32.s32 v24;
	[tilespmem:$0x1FF60] =	vst v0;
	v0 =	vmul.f32 v9, v34  }
0x71: {  	v53 =	vcvt.f32.s32 v14;
	v14 =	vmax.f32 v21, $0.0e+00;
	v32 =	vcvt.f32.s32 v41  }
0x72: {  	v15 =	vtrunc.f32 v48;
	v61 =	vmin.f32 v14, $4.095999020e+03;
	v14 =	vld.idx.msk [tilespmem:v50+s19+$0x0], $0xffff;
	[tilespmem:$0x1FF70] =	vst v0;
	v0 =	vmul.f32 v3, v34  }
0x73: {  	v47 =	vtrunc.f32 v57;
	v49 =	vtrunc.f32 v55;
	vm11 =	vgt.u32 v8, $0xA  }
0x74: {  	vm12 =	vgt.u32 v39, $0xA;
	vm8 =	vgt.u32 v36, $0xA;
	v56 =	vcvt.f32.s32 v47;
	[tilespmem:$0x1FF80] =	vst v0  }
0x75: {  	v54 =	vcvt.f32.s32 v15;
	v49 =	vcvt.f32.s32 v49;
	v19 =	vmax.f32 v19, $0.0e+00;
	v15 =	vld.idx.msk [tilespmem:v30+s19+$0x0], $0xffff  }
0x76: {  	vm9 =	vgt.u32 v42, $0xA;
	v23 =	vcvt.s32.f32 v56;
	v62 =	vmin.f32 v19, $4.095999020e+03;
	v19 =	vld.idx.msk [tilespmem:v24+s19+$0x0], $0xffff  }
0x77: {  	v26 =	vadd.f32 $1.016025630e+03, v26;
	v45 =	vcvt.s32.f32 v49;
	v31 =	vtrunc.f32 v46;
	v28 =	vld.idx.msk [tilespmem:v32+s19+$0x0], $0xffff  }
0x78: {  	v27 =	vadd.f32 $1.016025630e+03, v27;
	v47 =	vtrunc.f32 v61;
	v41 =	vcvt.s32.f32 v54;
	v9 =	vld.idx.msk [tilespmem:v50+s21+$0x0], $0xffff  }
0x79: {  	v21 =	vmax.f32 v12, $0.0e+00;
	v1 =	vmax.f32 v22, $0.0e+00;
	v0 =	vmul.f32 v51, v34;
	v8 =	vld.idx.msk [tilespmem:v30+s21+$0x0], $0xffff  }
0x7a: {  	v22 =	vmax.f32 v26, $0.0e+00;
	v26 =	vmax.f32 v27, $0.0e+00;
	v27 =	vcvt.s32.f32 v30;
	v30 =	vld.idx.msk [tilespmem:v53+s19+$0x0], $0xffff  }
0x7b: {  	v63 =	vmin.f32 v21, $4.095999020e+03;
	v5 =	vmin.f32 v22, $4.095999020e+03;
	v21 =	vld.idx.msk [tilespmem:v56+s19+$0x0], $0xffff;
	[tilespmem:$0x1FF90] =	vst v0;
	v0 =	vmul.f32 v52, v34  }
0x7c: {  	v33 =	vmin.f32 v26, $4.095999020e+03;
	v2 =	vcvt.s32.f32 v53;
	v26 =	vtrunc.f32 v5  }
0x7d: {  	vm10 =	vgt.u32 v40, $0xA;
	v35 =	vcvt.s32.f32 v24;
	v36 =	vcvt.f32.s32 v26;
	v11 =	vld.idx.msk [tilespmem:v24+s21+$0x0], $0xffff;
	[tilespmem:$0x1FFA0] =	vst v0  }
0x7e: {  	v26 =	vmul.f32 v18, v4;
	v10 =	vsub.f32 v43, v27;
	v27 =	vtrunc.f32 v33;
	v40 =	vld.idx.msk [tilespmem:v32+s21+$0x0], $0xffff  }
0x7f: {  	v1 =	vmin.f32 v1, $4.095999020e+03;
	v43 =	vcvt.f32.s32 v31;
	v3 =	vcvt.s32.f32 v50;
	v31 =	vld.idx.msk [tilespmem:v54+s19+$0x0], $0xffff  }
0x80: {  	v58 =	vsub.f32 v58, v35;
	v37 =	vcvt.s32.f32 v32;
	v35 =	vcvt.f32.s32 v27;
	v51 =	vld.idx.msk [tilespmem:v53+s21+$0x0], $0xffff  }
0x81: {  	v3 =	vsub.f32 v29, v3;
	v29 =	vtrunc.f32 v63;
	v0 =	vcvt.f32.s32 v47;
	v32 =	vld.idx.msk [tilespmem:v49+s19+$0x0], $0xffff  }
0x82: {  	v50 =	vtrunc.f32 v62;
	v39 =	vcvt.f32.s32 v29;
	v29 =	vadd.f32 $1.016025630e+03, v7;
	v52 =	vld.idx.msk [tilespmem:v56+s21+$0x0], $0xffff  }
0x83: {  	v27 =	vmul.f32 v16, v44;
	v42 =	vcvt.f32.s32 v50;
	v50 =	vsub.f32 v25, v2;
	v53 =	vld.idx.msk [tilespmem:v54+s21+$0x0], $0xffff  }
0x84: {  	v25 =	vmul.f32 v13, v4;
	v24 =	vtrunc.f32 v1;
	v2 =	vmax.f32 v29, $0.0e+00;
	v49 =	vld.idx.msk [tilespmem:v49+s21+$0x0], $0xffff  }
0x85: {  	v29 =	vmul.f32 v17, v44;
	v47 =	vsub.f32 v38, v37;
	v38 =	vcvt.f32.s32 v24;
	v34 =	vld.idx.msk [tilespmem:v43+s19+$0x0], $0xffff  }
0x86: {  	v44 =	vmin.f32 v2, $4.095999020e+03;
	v24 =	vmul.f32 v60, v6;
	v56 =	vcvt.s32.f32 v43;
	v43 =	vld.idx.msk [tilespmem:v43+s21+$0x0], $0xffff  }
0x87: {  	v54 =	vsub.f32 v57, v23;
	v23 =	vmul.f32 v59, v6;
	v2 =	vcvt.s32.f32 v0;
	v37 =	vld.idx.msk [tilespmem:v0+s19+$0x0], $0xffff  }
0x88: {  	v59 =	vsub.f32 v48, v41;
	v6 =	vcvt.s32.f32 v38;
	v41 =	vld.idx.msk [tilespmem:v0+s21+$0x0], $0xffff;
	v0 =	vcvt.s32.f32 v39  }
0x89: {  	v4 =	vcvt.s32.f32 v42;
	v60 =	vsub.f32 v55, v45;
	v55 =	vsub.f32 v46, v56;
	v56 =	vld.idx.msk [tilespmem:v39+s21+$0x0], $0xffff  }
0x8a: {  	v45 =	vld.idx.msk [tilespmem:v42+s21+$0x0], $0xffff;
	v46 =	vsub.f32 v1, v6;
	v1 =	vsub.f32 v63, v0;
	v0 =	vimm.f32 $0.0e+00  }
0x8b: {  	v61 =	vsub.f32 v61, v2;
	v2 =	vmul.f32 v58, v11;
	v58 =	vld.idx.msk [tilespmem:v38+s21+$0x0], $0xffff;
	[tilespmem:$0x1FFB0] =	vst v0  }
0x8c: {  	v7 =	vimm.f32 $0.0e+00;
	v48 =	vtrunc.f32 v44;
	v57 =	vsub.f32 v62, v4;
	v62 =	vld.idx.msk [tilespmem:v36+s21+$0x0], $0xffff  }
0x8d: {  	v48 =	vcvt.f32.s32 v48;
	v6 =	vcvt.s32.f32 v36;
	v0 =	vld.idx.msk [tilespmem:v35+s21+$0x0], $0xffff;
	[tilespmem:$0x1FFC0] =	vst v7;
	v7 =	vimm.f32 $0.0e+00  }
0x8e: {  	v3 =	vmul.f32 v3, v9;
	v4 =	vcvt.s32.f32 v35;
	[tilespmem:$0x1FFD0] =	vst v7;
	v7 =	vimm.f32 $0.0e+00  }
0x8f: {  	s0 =	simm.s32 $0x40;
	s1 =	simm.s32 $0x0;
	s17 =	simm.s32 $0x0;
	v63 =	vsub.f32 v5, v6;
	v6 =	vmul.f32 v10, v8;
	v5 =	vcvt.s32.f32 v48;
	[tilespmem:$0x1FFE0] =	vst v7  }
.LBB2_3:
0x90: {  	v7 =	vld [tilespmem:$0x1FF10];
	_ =	sdelay $0x2  }
0x91: {  	v3 =	vadd.f32 v3, v14;
	_ =	sdelay $0x1  }
0x92: {  	v3 =	vmul.f32 v3, v7;
	v7 =	vld [tilespmem:$0x1FF20];
	_ =	sdelay $0x2  }
0x93: {  	v6 =	vadd.f32 v6, v15;
	_ =	sdelay $0x1  }
0x94: {  	v6 =	vmul.f32 v6, v7;
	v7 =	vld [tilespmem:$0x1FF30];
	_ =	sdelay $0x2  }
0x95: {  	v2 =	vadd.f32 v2, v19;
	_ =	sdelay $0x1  }
0x96: {  	v2 =	vmul.f32 v2, v7;
	v7 =	vld [tilespmem:$0x1FF40]  }
0x97: {  	v40 =	vmul.f32 v47, v40;
	_ =	sdelay $0x1  }
0x98: {  	v20 =	vadd.f32 v40, v28;
	_ =	sdelay $0x1  }
0x99: {  	v13 =	vmul.f32 v20, v7;
	v7 =	vld [tilespmem:$0x1FF50]  }
0x9a: {  	v50 =	vmul.f32 v50, v51;
	_ =	sdelay $0x1  }
0x9b: {  	v30 =	vadd.f32 v50, v30  }
0x9c: {  	v10 =	vld.idx.msk [tilespmem:v48+s21+$0x0], $0xffff  }
0x9d: {  	v16 =	vmul.f32 v30, v7;
	v7 =	vld [tilespmem:$0x1FF60]  }
0x9e: {  	v54 =	vmul.f32 v54, v52  }
0x9f: {  	v4 =	vsub.f32 v33, v4  }
0xa0: {  	v5 =	vsub.f32 v44, v5;
	v28 =	vadd.f32 v54, v21  }
0xa1: {  	v0 =	vmul.f32 v4, v0;
	v4 =	vld.idx.msk [tilespmem:v48+s19+$0x0], $0xffff  }
0xa2: {  	v5 =	vmul.f32 v5, v10;
	v10 =	vmul.f32 v28, v7;
	v7 =	vld [tilespmem:$0x1FF70]  }
0xa3: {  	v11 =	vmul.f32 v59, v53;
	_ =	sdelay $0x1  }
0xa4: {  	v31 =	vadd.f32 v11, v31  }
0xa5: {  	v4 =	vadd.f32 v5, v4;
	v5 =	vld [tilespmem:$0x1FF90]  }
0xa6: {  	v18 =	vmul.f32 v55, v43;
	v11 =	vmul.f32 v31, v7;
	v7 =	vld [tilespmem:$0x1FF80]  }
0xa7: {  	v42 =	vld.idx.msk [tilespmem:v42+s19+$0x0], $0xffff;
	v59 =	vmul.f32 v60, v49  }
0xa8: {  	v17 =	vld.idx.msk [tilespmem:v39+s19+$0x0], $0xffff;
	v14 =	vadd.f32 v18, v34  }
0xa9: {  	v35 =	vld.idx.msk [tilespmem:v35+s19+$0x0], $0xffff;
	v60 =	vmul.f32 v61, v41;
	v12 =	vadd.f32 v59, v32  }
0xaa: {  	v19 =	vld.idx.msk [tilespmem:v38+s19+$0x0], $0xffff;
	v61 =	vmul.f32 v57, v45;
	v3 =	vnsel vm5, $0x0, v3;
	v5 =	vmul.f32 v14, v5  }
0xab: {  	v14 =	vmul.f32 v3, v3;
	v9 =	vmul.f32 v12, v7;
	v7 =	vld [tilespmem:$0x1FFA0]  }
0xac: {  	v36 =	vld.idx.msk [tilespmem:v36+s19+$0x0], $0xffff;
	v1 =	vmul.f32 v1, v56;
	v45 =	vmul.f32 v46, v58  }
0xad: {  	v46 =	vmul.f32 v63, v62;
	v15 =	vadd.f32 v60, v37;
	v48 =	vadd.f32 $3.999999900e-04, v14  }
0xae: {  	v18 =	vadd.f32 v61, v42;
	v1 =	vadd.f32 v1, v17;
	v6 =	vnsel vm6, $0x0, v6  }
0xaf: {  	v0 =	vadd.f32 v0, v35;
	(erf) = vrcp.f32 v48;
	v20 =	vmul.f32 v6, v6  }
0xb0: {  	v18 =	vmul.f32 v18, v27;
	v17 =	vadd.f32 v45, v19;
	v12 =	vmul.f32 v15, v7;
	v7 =	vld [tilespmem:$0x1FEE0]  }
0xb1: {  	v1 =	vmul.f32 v1, v29;
	v19 =	vadd.f32 v46, v36;
	v49 =	vadd.f32 $3.999999900e-04, v20  }
0xb2: {  	v0 =	vmul.f32 v0, v23;
	v25 =	vmul.f32 v17, v25  }
0xb3: {  	v1 =	vnsel vm9, $0x0, v1;
	v19 =	vmul.f32 v19, v26;
	(erf) = vrcp.f32 v49  }
0xb4: {  	v3 =	vmul.f32 v14, v3;
	v5 =	vnsel vm11, $0x0, v5;
	v14 =	vnsel vm8, $0x0, v18  }
0xb5: {  	v18 =	vmul.f32 v5, v5;
	v16 =	vnsel vm2, $0x0, v16;
	vm2 =	vgt.u32 v7, $0xA;
	v7 =	vld [tilespmem:$0x1FEF0]  }
0xb6: {  	v6 =	vmul.f32 v20, v6;
	v20 =	vnsel vm10, $0x0, v25;
	v25 =	vmul.f32 v1, v1  }
0xb7: {  	v4 =	vmul.f32 v4, v24;
	v5 =	vmul.f32 v18, v5;
	v13 =	vnsel vm4, $0x0, v13  }
0xb8: {  	v21 =	vmul.f32 v13, v13;
	v1 =	vmul.f32 v25, v1;
	v30 =	vpop (erf)  }
0xb9: {  	v2 =	vnsel vm7, $0x0, v2;
	v22 =	vmul.f32 v16, v16;
	v3 =	vmul.f32 v30, v3  }
0xba: {  	v10 =	vnsel vm3, $0x0, v10;
	v9 =	vnsel vm1, $0x0, v9;
	vm1 =	vgt.u32 v7, $0xA;
	v7 =	vld [tilespmem:$0x1FF00]  }
0xbb: {  	v8 =	vmul.f32 v22, v16;
	v27 =	vmul.f32 v10, v10;
	v11 =	vnsel vm0, $0x0, v11  }
0xbc: {  	v53 =	vadd.f32 $3.999999900e-04, v18;
	v31 =	vpop (erf);
	v28 =	vmul.f32 v11, v11;
	v15 =	vmul.f32 v2, v2  }
0xbd: {  	s18 =	sadd.s32 $0x30, s0;
	s31 =	sadd.s32 $0x100, s31;
	s22 =	sadd.s32 $0x20, s0;
	v23 =	vmul.f32 v27, v10;
	v16 =	vadd.f32 $3.999999900e-04, v27;
	v30 =	vmul.f32 v31, v6  }
0xbe: {  	s26 =	sadd.s32 $0x10, s0;
	s5 =	sand.u32 $0x3E00, s31;
	s9 =	sand.u32 $0x60, s22;
	v17 =	vmul.f32 v28, v11;
	v26 =	vmul.f32 v9, v9;
	v50 =	vadd.f32 $3.999999900e-04, v15  }
0xbf: {  	s6 =	sand.u32 $0x70, s18;
	s11 =	sand.u32 $0x50, s26;
	s9 =	sor.u32 s9, s5;
	v57 =	vld [tilespmem:$0x1FFF0];
	vm0 =	vgt.u32 v7, $0xA;
	v7 =	vmul.f32 v21, v13;
	v13 =	vadd.f32 $3.999999900e-04, v21  }
0xc0: {  	s10 =	sor.u32 s6, s5;
	s6 =	sor.u32 s11, s5;
	v58 =	vld [tilespmem:s9+$0x1000];
	v2 =	vmul.f32 v15, v2;
	v15 =	vadd.f32 $3.999999900e-04, v22;
	(erf) = vrcp.f32 v50  }
0xc1: {  	v62 =	vld [tilespmem:s6+$0x1000];
	v51 =	vadd.f32 $3.999999900e-04, v28;
	v24 =	vmul.f32 v26, v9;
	(erf) = vrcp.f32 v13  }
0xc2: {  	v52 =	vadd.f32 $3.999999900e-04, v26;
	v26 =	vmul.f32 v20, v20;
	v9 =	vld [tilespmem:s10+$0x9000];
	(erf) = vrcp.f32 v15  }
0xc3: {  	s11 =	sand.u32 $0x40, s0;
	v63 =	vld [tilespmem:s6+$0x1080];
	v12 =	vnsel vm12, $0x0, v12;
	v22 =	vmul.f32 v14, v14;
	(erf) = vrcp.f32 v16  }
0xc4: {  	s5 =	sor.u32 s11, s5;
	v61 =	vld [tilespmem:s9+$0x1080];
	v6 =	vadd.s32 s18, v57;
	v21 =	vmul.f32 v12, v12;
	(erf) = vrcp.f32 v51  }
0xc5: {  	v46 =	vld [tilespmem:s5+$0x1000];
	v19 =	vnsel vm2, $0x0, v19;
	v0 =	vnsel vm1, $0x0, v0;
	(erf) = vrcp.f32 v52  }
0xc6: {  	v48 =	vld [tilespmem:$0x1FFD0];
	v28 =	vmul.f32 v0, v0;
	v4 =	vnsel vm0, $0x0, v4;
	v13 =	vadd.f32 $3.999999900e-04, v21  }
0xc7: {  	v49 =	vld [tilespmem:$0x1FFE0];
	v29 =	vmul.f32 v4, v4;
	v15 =	vadd.f32 $3.999999900e-04, v22;
	(erf) = vrcp.f32 v53  }
0xc8: {  	v10 =	vld [tilespmem:s10+$0x9080];
	v27 =	vmul.f32 v19, v19;
	v16 =	vadd.f32 $3.999999900e-04, v28;
	(erf) = vrcp.f32 v13  }
0xc9: {  	v11 =	vld [tilespmem:s9+$0x9000];
	v55 =	vpop (erf);
	v18 =	vmul.f32 v21, v12;
	v21 =	vadd.f32 $3.999999900e-04, v29;
	(erf) = vrcp.f32 v15  }
0xca: {  	v54 =	vadd.f32 $3.999999900e-04, v26;
	v44 =	vsub.s32 v9, v6;
	v9 =	vld.idx.msk [tilespmem:v9+s4+$0x0], $0xffff;
	(erf) = vrcp.f32 v16;
	v56 =	vpop (erf)  }
0xcb: {  	v20 =	vmul.f32 v26, v20;
	v12 =	vld [tilespmem:s9+$0x9080];
	(erf) = vrcp.f32 v21;
	v21 =	vadd.f32 $3.999999900e-04, v25;
	v25 =	vpop (erf)  }
0xcc: {  	p0 =	por !p0, !p0;
	v26 =	vadd.f32 $3.999999900e-04, v27;
	v19 =	vmul.f32 v27, v19;
	s9 =	simm.s32 $0x1;
	v4 =	vmul.f32 v29, v4;
	v29 =	vld [tilespmem:s10+$0x1080];
	v27 =	vpop (erf)  }
0xcd: {  	s1 =	sadd.s32 $0x4, s1;
	v0 =	vmul.f32 v28, v0;
	s9 =	simm.s32 @!p0 $0x0;
	v16 =	vld [tilespmem:s5+$0x9080];
	(erf) = vrcp.f32 v54;
	v28 =	vpop (erf)  }
0xce: {  	s11 =	sand.u32 $0x7, s1;
	v34 =	vmul.f32 $2.560000000e+02, v46;
	s9 =	sshll.u32 s9, $0x6;
	(erf) = vrcp.f32 v26;
	v26 =	vld [tilespmem:s10+$0x1000];
	v31 =	vpop (erf)  }
0xcf: {  	s17 =	sadd.s32 $0x2, s17;
	v50 =	vmul.f32 $2.560000000e+02, v61;
	s10 =	sadd.s32 s9, s31;
	s9 =	sshll.u32 s11, $0x4;
	v24 =	vmul.f32 v31, v24;
	v31 =	vld [tilespmem:$0x1FFB0]  }
0xd0: {  	v22 =	vmul.f32 v22, v14;
	v13 =	vld [tilespmem:s6+$0x9000];
	v59 =	vmul.f32 v56, v7;
	v7 =	vadd.s32 s22, v57;
	s22 =	sand.u32 $0x3, s17;
	s18 =	sor.u32 $0x100, s10;
	s9 =	sadd.s32 s31, s9  }
0xd1: {  	v52 =	vmul.f32 $2.560000000e+02, v63;
	v15 =	vld [tilespmem:s6+$0x9080];
	v25 =	vmul.f32 v25, v8;
	v8 =	vadd.s32 s26, v57;
	s6 =	sor.u32 $0x180, s10;
	s26 =	sadd.s32 $0x30, s9;
	s9 =	sadd.s32 $0x10, s9;
	v60 =	vpop (erf)  }
0xd2: {  	vm5 =	vgt.u32 v44, $0xA;
	v14 =	vld [tilespmem:s5+$0x9000];
	v23 =	vmul.f32 v27, v23;
	s10 =	sshll.u32 s22, $0x5;
	v17 =	vmul.f32 v28, v17;
	s22 =	sor.u32 $0x100, s9;
	s9 =	sor.u32 $0x180, s9;
	v27 =	vpop (erf)  }
0xd3: {  	v33 =	vadd.f32 $1.016025630e+03, v50;
	(erf) = vrcp.f32 v21;
	v21 =	vadd.s32 s0, v57;
	v57 =	vld [tilespmem:s9+$0x1000];
	v28 =	vpop (erf)  }
0xd4: {  	v36 =	vadd.f32 $1.016025630e+03, v52;
	v45 =	vmul.f32 v27, v18;
	v27 =	vpop (erf);
	v31 =	vadd.f32 v17, v31;
	v17 =	vld [tilespmem:$0x1FFC0]  }
0xd5: {  	v33 =	vmax.f32 v33, $0.0e+00;
	v2 =	vmul.f32 v55, v2;
	v0 =	vmul.f32 v27, v0;
	v27 =	vld [tilespmem:s5+$0x1080]  }
0xd6: {  	v36 =	vmax.f32 v36, $0.0e+00;
	v5 =	vmul.f32 v60, v5;
	v32 =	vld [tilespmem:s9+$0x9000];
	v25 =	vadd.f32 v25, v31  }
0xd7: {  	v41 =	vmin.f32 v36, $4.095999020e+03;
	v56 =	vadd.f32 $1.016025630e+03, v34;
	v51 =	vsub.s32 v16, v21;
	v36 =	vld.idx.msk [tilespmem:v16+s4+$0x0], $0xffff  }
0xd8: {  	vm1 =	vgt.u32 v51, $0xA;
	v5 =	vadd.f32 v5, v48;
	v31 =	vld [tilespmem:s22+$0x9000];
	v2 =	vadd.f32 v2, v25  }
0xd9: {  	v22 =	vmul.f32 v28, v22;
	v40 =	vmul.f32 $2.560000000e+02, v57;
	v25 =	vld [tilespmem:s6+$0x1000];
	v47 =	vadd.f32 v24, v17;
	v17 =	vpop (erf)  }
0xda: {  	v53 =	vmul.f32 $2.560000000e+02, v27;
	v4 =	vmul.f32 v17, v4;
	v18 =	vpop (erf);
	v17 =	vld [tilespmem:s18+$0x9000];
	v2 =	vadd.f32 v3, v2  }
0xdb: {  	s11 =	sor.u32 $0x100, s26;
	s5 =	sor.u32 $0x180, s26;
	s26 =	sshra.s32 s31, $0x2;
	v3 =	vmul.f32 $2.560000000e+02, v26;
	v26 =	vsub.s32 v14, v21;
	v20 =	vmul.f32 v18, v20;
	v18 =	vld [tilespmem:s6+$0x9000]  }
0xdc: {  	v39 =	vadd.f32 v45, v49;
	v37 =	vadd.f32 $1.016025630e+03, v53;
	v24 =	vpop (erf);
	vm0 =	vgt.u32 v26, $0xA;
	v26 =	vld [tilespmem:s26+$0x20]  }
0xdd: {  	v0 =	vadd.f32 v0, v5;
	v40 =	vadd.f32 $1.016025630e+03, v40;
	v5 =	vmul.f32 v24, v19;
	v24 =	vld [tilespmem:s18+$0x1000]  }
0xde: {  	s10 =	sadd.s32 s31, s10;
	v23 =	vadd.f32 v23, v47;
	v19 =	vpop (erf);
	v60 =	vmax.f32 v37, $0.0e+00;
	v37 =	vmin.f32 v33, $4.095999020e+03;
	v33 =	vld.idx.msk [tilespmem:v15+s4+$0x0], $0xffff  }
0xdf: {  	s10 =	sadd.s32 $0x20, s10;
	v4 =	vadd.f32 v4, v39;
	v39 =	vmax.f32 v56, $0.0e+00;
	v1 =	vmul.f32 v19, v1;
	v19 =	vld [tilespmem:s11+$0x9000]  }
0xe0: {  	s18 =	sor.u32 $0x100, s10;
	v23 =	vadd.f32 v59, v23;
	v0 =	vadd.f32 v20, v0;
	v20 =	vld [tilespmem:s5+$0x9000];
	v59 =	vmul.f32 $2.560000000e+02, v25  }
0xe1: {  	v28 =	vld [tilespmem:s18+$0x9000];
	v45 =	vmin.f32 v39, $4.095999020e+03;
	v46 =	vmin.f32 v60, $4.095999020e+03;
	v16 =	vtrunc.f32 v37  }
0xe2: {  	s10 =	sor.u32 $0x180, s10;
	v4 =	vadd.f32 v5, v4;
	v5 =	vsub.s32 v10, v6;
	v10 =	vld.idx.msk [tilespmem:v10+s4+$0x0], $0xffff;
	v63 =	vtrunc.f32 v46  }
0xe3: {  	[tilespmem:$0x1FFB0] =	vst v2;
	v2 =	vadd.f32 v30, v23;
	v30 =	vld [tilespmem:s10+$0x9000];
	v23 =	vmul.f32 $2.560000000e+02, v29;
	v29 =	vmul.f32 $2.560000000e+02, v62  }
0xe4: {  	v0 =	vadd.f32 v22, v0;
	v22 =	vmul.f32 $2.560000000e+02, v58;
	vm6 =	vgt.u32 v5, $0xA;
	v5 =	vld [tilespmem:s11+$0x1000]  }
0xe5: {  	v27 =	vsub.s32 v17, v21;
	v42 =	vadd.f32 $1.016025630e+03, v59;
	v55 =	vadd.f32 $1.016025630e+03, v29;
	v29 =	vld [tilespmem:s22+$0x1000]  }
0xe6: {  	v62 =	vtrunc.f32 v45;
	v60 =	vcvt.f32.s32 v63;
	[tilespmem:$0x1FFC0] =	vst v2;
	v54 =	vadd.f32 $1.016025630e+03, v23;
	v23 =	vld [tilespmem:s26+$0x30]  }
0xe7: {  	v53 =	vcvt.f32.s32 v62;
	v2 =	vsub.s32 v11, v7;
	[tilespmem:$0x1FFD0] =	vst v0;
	v58 =	vmul.f32 $2.560000000e+02, v24;
	v24 =	vld [tilespmem:s26+$0x10]  }
0xe8: {  	v0 =	vadd.f32 v1, v4;
	v1 =	vsub.s32 v12, v7;
	v4 =	vsub.s32 v15, v8;
	v11 =	vld.idx.msk [tilespmem:v11+s4+$0x0], $0xffff  }
0xe9: {  	vm7 =	vgt.u32 v2, $0xA;
	vm4 =	vgt.u32 v1, $0xA;
	vm3 =	vgt.u32 v4, $0xA;
	v1 =	vld [tilespmem:s18+$0x1000]  }
0xea: {  	v2 =	vadd.f32 $1.016025630e+03, v3;
	v3 =	vadd.f32 $1.016025630e+03, v22;
	v4 =	vld [tilespmem:s10+$0x1000];
	v22 =	vsub.s32 v18, v21  }
0xeb: {  	v21 =	vsub.s32 v28, v7;
	v34 =	vsub.s32 v19, v6;
	v35 =	vmax.f32 v54, $0.0e+00;
	v54 =	vld.idx.msk [tilespmem:v17+s4+$0x0], $0xffff  }
0xec: {  	v6 =	vsub.s32 v20, v6;
	[tilespmem:$0x1FFE0] =	vst v0;
	v0 =	vsub.s32 v13, v8;
	v38 =	vmax.f32 v55, $0.0e+00;
	v25 =	vld.idx.msk [tilespmem:v18+s4+$0x0], $0xffff  }
0xed: {  	v61 =	vadd.f32 $1.016025630e+03, v58;
	v17 =	vtrunc.f32 v41;
	v55 =	vld.idx.msk [tilespmem:v32+s4+$0x0], $0xffff;
	vm2 =	vgt.u32 v0, $0xA  }
0xee: {  	[tilespmem:$0x1FEA0] =	vst v6;
	v0 =	vld [tilespmem:s5+$0x1000];
	v6 =	vsub.s32 v30, v7;
	v5 =	vmul.f32 $2.560000000e+02, v5;
	v3 =	vmax.f32 v3, $0.0e+00  }
0xef: {  	v2 =	vmax.f32 v2, $0.0e+00;
	v50 =	vmin.f32 v35, $4.095999020e+03;
	v43 =	vmin.f32 v38, $4.095999020e+03;
	v35 =	vld.idx.msk [tilespmem:v14+s4+$0x0], $0xffff  }
0xf0: {  	v58 =	vcvt.f32.s32 v17;
	v17 =	vcvt.s32.f32 v60;
	v49 =	vmin.f32 v2, $4.095999020e+03;
	v2 =	vld.idx.msk [tilespmem:v12+s4+$0x0], $0xffff  }
0xf1: {  	[tilespmem:$0x1FEE0] =	vst v6;
	v6 =	vsub.s32 v31, v8;
	v14 =	vtrunc.f32 v50;
	v15 =	vtrunc.f32 v43;
	v56 =	vld.idx.msk [tilespmem:v19+s4+$0x0], $0xffff  }
0xf2: {  	v47 =	vmin.f32 v3, $4.095999020e+03;
	v57 =	vld.idx.msk [tilespmem:v20+s4+$0x0], $0xffff;
	[tilespmem:$0x1FEF0] =	vst v6;
	v6 =	vmul.f32 $2.560000000e+02, v29;
	v51 =	vcvt.f32.s32 v14  }
0xf3: {  	v3 =	vadd.f32 $1.016025630e+03, v5;
	v5 =	vld.idx.msk [tilespmem:v13+s4+$0x0], $0xffff;
	v12 =	vtrunc.f32 v49;
	v13 =	vtrunc.f32 v47  }
0xf4: {  	vm12 =	vgt.u32 v22, $0xA;
	v59 =	vld.idx.msk [tilespmem:v28+s4+$0x0], $0xffff;
	v52 =	vcvt.f32.s32 v15;
	v4 =	vmul.f32 $2.560000000e+02, v4  }
0xf5: {  	v7 =	vsub.s32 v32, v8;
	v8 =	vld.idx.msk [tilespmem:v31+s4+$0x0], $0xffff;
	v9 =	vmul.f32 v9, v23;
	v32 =	vmul.f32 v10, v23  }
0xf6: {  	v29 =	vld [tilespmem:s26+$0x0];
	v14 =	vcvt.s32.f32 v58;
	v4 =	vadd.f32 $1.016025630e+03, v4;
	v2 =	vmul.f32 v2, v26  }
0xf7: {  	v31 =	vld.idx.msk [tilespmem:v53+s19+$0x0], $0xffff;
	v1 =	vmul.f32 $2.560000000e+02, v1;
	v44 =	vcvt.f32.s32 v12;
	v12 =	vmax.f32 v61, $0.0e+00  }
0xf8: {  	v48 =	vcvt.f32.s32 v13;
	[tilespmem:$0x1FF40] =	vst v2;
	v2 =	vmax.f32 v4, $0.0e+00;
	v4 =	vmul.f32 v5, v24;
	v5 =	vld.idx.msk [tilespmem:v51+s19+$0x0], $0xffff  }
0xf9: {  	[tilespmem:$0x1FEB0] =	vst v21;
	v13 =	vmax.f32 v42, $0.0e+00;
	v42 =	vcvt.f32.s32 v16;
	v63 =	vld.idx.msk [tilespmem:v30+s4+$0x0], $0xffff;
	v16 =	vcvt.s32.f32 v53  }
0xfa: {  	v53 =	vld.idx.msk [tilespmem:v53+s21+$0x0], $0xffff;
	v6 =	vadd.f32 $1.016025630e+03, v6;
	v61 =	vmin.f32 v12, $4.095999020e+03;
	[tilespmem:$0x1FF20] =	vst v32;
	v32 =	vmul.f32 v11, v26  }
0xfb: {  	v62 =	vmin.f32 v13, $4.095999020e+03;
	[tilespmem:$0x1FF10] =	vst v9;
	v9 =	vcvt.s32.f32 v51;
	v13 =	vcvt.s32.f32 v52;
	v21 =	vld.idx.msk [tilespmem:v58+s19+$0x0], $0xffff  }
0xfc: {  	v3 =	vmax.f32 v3, $0.0e+00;
	v0 =	vmul.f32 $2.560000000e+02, v0;
	v38 =	vtrunc.f32 v61;
	[tilespmem:$0x1FF30] =	vst v32;
	v32 =	vld.idx.msk [tilespmem:v60+s19+$0x0], $0xffff  }
0xfd: {  	v1 =	vadd.f32 $1.016025630e+03, v1;
	v39 =	vtrunc.f32 v62;
	v15 =	vld.idx.msk [tilespmem:v51+s21+$0x0], $0xffff;
	[tilespmem:$0x1FED0] =	vst v5;
	v5 =	vmul.f32 v35, v29  }
0xfe: {  	v10 =	vcvt.s32.f32 v48;
	v0 =	vadd.f32 $1.016025630e+03, v0;
	v30 =	vld.idx.msk [tilespmem:v52+s19+$0x0], $0xffff;
	[tilespmem:$0x1FF50] =	vst v4;
	v4 =	vmul.f32 v33, v24  }
0xff: {  	v3 =	vmin.f32 v3, $4.095999020e+03;
	v11 =	vcvt.s32.f32 v42;
	v28 =	vld.idx.msk [tilespmem:v42+s19+$0x0], $0xffff;
	[tilespmem:$0x1FF70] =	vst v5;
	v5 =	vmul.f32 v36, v29  }
0x100: {  	v20 =	vcvt.f32.s32 v38;
	v0 =	vmax.f32 v0, $0.0e+00;
	[tilespmem:$0x1FF60] =	vst v4;
	v4 =	vmax.f32 v6, $0.0e+00;
	v6 =	vld.idx.msk [tilespmem:v48+s19+$0x0], $0xffff  }
0x101: {  	v18 =	vmin.f32 v2, $4.095999020e+03;
	v2 =	vtrunc.f32 v3;
	[tilespmem:$0x1FF80] =	vst v5;
	v5 =	vmax.f32 v40, $0.0e+00;
	v40 =	vld.idx.msk [tilespmem:v42+s21+$0x0], $0xffff  }
0x102: {  	v22 =	vcvt.f32.s32 v39;
	v0 =	vmin.f32 v0, $4.095999020e+03;
	v42 =	vcvt.f32.s32 v2;
	v2 =	vld [tilespmem:$0x1FEA0]  }
0x103: {  	v1 =	vmax.f32 v1, $0.0e+00;
	v51 =	vld.idx.msk [tilespmem:v52+s21+$0x0], $0xffff;
	v33 =	vmin.f32 v4, $4.095999020e+03;
	v4 =	vtrunc.f32 v0  }
0x104: {  	[tilespmem:$0x1FF00] =	vst v7;
	v1 =	vmin.f32 v1, $4.095999020e+03;
	v7 =	vld.idx.msk [tilespmem:v44+s19+$0x0], $0xffff;
	v35 =	vtrunc.f32 v18;
	v39 =	vcvt.f32.s32 v4  }
0x105: {  	v12 =	vld.idx.msk [tilespmem:v44+s21+$0x0], $0xffff;
	[tilespmem:$0x1FEC0] =	vst v6;
	v6 =	vcvt.s32.f32 v44;
	v44 =	vmin.f32 v5, $4.095999020e+03;
	v5 =	vtrunc.f32 v1  }
0x106: {  	vm11 =	vgt.u32 v27, $0xA;
	v52 =	vld.idx.msk [tilespmem:v58+s21+$0x0], $0xffff;
	v27 =	vtrunc.f32 v33;
	v38 =	vcvt.f32.s32 v5  }
0x107: {  	v4 =	vcvt.s32.f32 v20;
	v36 =	vcvt.f32.s32 v35;
	vm9 =	vgt.u32 v2, $0xA;
	v2 =	vld [tilespmem:$0x1FEB0]  }
0x108: {  	v19 =	vld.idx.msk [tilespmem:v48+s21+$0x0], $0xffff;
	v35 =	vcvt.f32.s32 v27;
	v27 =	vmul.f32 v56, v23  }
0x109: {  	vm8 =	vgt.u32 v34, $0xA;
	v34 =	vld.idx.msk [tilespmem:v20+s19+$0x0], $0xffff;
	v48 =	vtrunc.f32 v44;
	v5 =	vmul.f32 v25, v29  }
0x10a: {  	v25 =	vmul.f32 v59, v26;
	v26 =	vmul.f32 v63, v26;
	v56 =	vld.idx.msk [tilespmem:v39+s21+$0x0], $0xffff  }
0x10b: {  	v59 =	vsub.f32 v45, v16;
	v48 =	vcvt.f32.s32 v48;
	[tilespmem:$0x1FFA0] =	vst v5;
	v5 =	vcvt.s32.f32 v22;
	v45 =	vld.idx.msk [tilespmem:v42+s21+$0x0], $0xffff  }
0x10c: {  	v58 =	vld.idx.msk [tilespmem:v38+s21+$0x0], $0xffff;
	vm10 =	vgt.u32 v2, $0xA;
	v2 =	vmul.f32 v54, v29;
	v29 =	vmul.f32 v57, v23  }
0x10d: {  	v54 =	vsub.f32 v41, v14;
	v23 =	vmul.f32 v8, v24;
	v41 =	vld.idx.msk [tilespmem:v22+s21+$0x0], $0xffff;
	v24 =	vmul.f32 v55, v24  }
0x10e: {  	v14 =	vmovc v7;
	v7 =	vcvt.s32.f32 v42;
	v55 =	vsub.f32 v61, v4;
	v61 =	vsub.f32 v62, v5;
	v62 =	vld.idx.msk [tilespmem:v36+s21+$0x0], $0xffff  }
0x10f: {  	p1 =	slt.u32 s0, $0xFC0;
	v8 =	vcvt.s32.f32 v38;
	[tilespmem:$0x1FF90] =	vst v2;
	v2 =	vsub.f32 v49, v6;
	v6 =	vsub.f32 v50, v9;
	v49 =	vld.idx.msk [tilespmem:v60+s21+$0x0], $0xffff  }
.Ltmp0:
0x110: {  	v9 =	vsub.f32 v47, v10;
	v47 =	vsub.f32 v37, v11;
	v37 =	vld.idx.msk [tilespmem:v22+s19+$0x0], $0xffff;
	v10 =	vcvt.s32.f32 v39;
	(pc) =	sbr.rel @p1 .LBB2_3-.Ltmp0, $4  }
0x111: {  	v4 =	vcvt.s32.f32 v35;
	v50 =	vsub.f32 v43, v13;
	v43 =	vld.idx.msk [tilespmem:v20+s21+$0x0], $0xffff;
	v60 =	vsub.f32 v46, v17  }
0x112: {  	v11 =	vcvt.s32.f32 v36;
	v46 =	vsub.f32 v1, v8;
	v1 =	vsub.f32 v0, v10;
	v0 =	vld.idx.msk [tilespmem:v35+s21+$0x0], $0xffff  }
0x113: {  	v57 =	vsub.f32 v3, v7;
	v3 =	vmul.f32 v2, v12;
	v2 =	vmul.f32 v9, v19;
	v19 =	vld [tilespmem:$0x1FEC0]  }
0x114: {  	s0 =	sadd.s32 $0x40, s0;
	v5 =	vcvt.s32.f32 v48;
	v63 =	vsub.f32 v18, v11;
	v6 =	vmul.f32 v6, v15;
	v15 =	vld [tilespmem:$0x1FED0]  }
0x115: {  	_ =	sdelay $0x3  }
0x116: {  	v11 =	vld.idx.msk [tilespmem:v48+s21+$0x0], $0xffff  }
0x117: {  	v12 =	vld.idx.msk [tilespmem:v42+s19+$0x0], $0xffff  }
0x118: {  	v3 =	vadd.f32 v3, v14;
	v14 =	vld.idx.msk [tilespmem:v39+s19+$0x0], $0xffff  }
0x119: {  	v13 =	vmul.f32 v60, v49;
	v17 =	vld.idx.msk [tilespmem:v38+s19+$0x0], $0xffff  }
0x11a: {  	v18 =	vmul.f32 v57, v45;
	v45 =	vld [tilespmem:$0x1FF10]  }
0x11b: {  	v7 =	vmul.f32 v50, v51;
	v8 =	vmul.f32 v47, v40;
	v47 =	vadd.f32 v13, v32;
	v13 =	vld [tilespmem:$0x1FF30]  }
0x11c: {  	v4 =	vsub.f32 v33, v4;
	v20 =	vmul.f32 v46, v58;
	v46 =	vld [tilespmem:$0x1FF20];
	v5 =	vsub.f32 v44, v5  }
0x11d: {  	v9 =	vmul.f32 v59, v53;
	v1 =	vmul.f32 v1, v56;
	v7 =	vadd.f32 v7, v30;
	v30 =	vld.idx.msk [tilespmem:v35+s19+$0x0], $0xffff  }
0x11e: {  	v0 =	vmul.f32 v4, v0;
	v2 =	vadd.f32 v2, v19;
	v4 =	vmul.f32 v5, v11;
	v5 =	vld.idx.msk [tilespmem:v48+s19+$0x0], $0xffff  }
0x11f: {  	v10 =	vmul.f32 v54, v52;
	v16 =	vmul.f32 v61, v41;
	v1 =	vadd.f32 v1, v14;
	v14 =	vld [tilespmem:$0x1FF70]  }
0x120: {  	v8 =	vadd.f32 v8, v28;
	v6 =	vadd.f32 v6, v15;
	v2 =	vmul.f32 v2, v13;
	v13 =	vld [tilespmem:$0x1FF40]  }
0x121: {  	v22 =	vmul.f32 v63, v62;
	v10 =	vadd.f32 v10, v21;
	v9 =	vadd.f32 v9, v31  }
0x122: {  	v15 =	vmul.f32 v55, v43;
	v12 =	vadd.f32 v18, v12;
	v6 =	vmul.f32 v6, v46  }
0x123: {  	v3 =	vmul.f32 v3, v45;
	v0 =	vadd.f32 v0, v30;
	v4 =	vadd.f32 v4, v5;
	v5 =	vld [tilespmem:$0x1FF90]  }
0x124: {  	v6 =	vnsel vm6, $0x0, v6;
	v9 =	vmul.f32 v9, v14;
	v14 =	vadd.f32 v20, v17;
	v17 =	vld [tilespmem:$0x1FF80]  }
0x125: {  	v8 =	vmul.f32 v8, v13;
	v13 =	vadd.f32 v15, v34;
	v15 =	vadd.f32 v16, v37;
	v16 =	vld [tilespmem:$0x1FF50]  }
0x126: {  	v3 =	vnsel vm5, $0x0, v3;
	v12 =	vmul.f32 v12, v27;
	v18 =	vmul.f32 v6, v6  }
0x127: {  	v19 =	vld.idx.msk [tilespmem:v36+s19+$0x0], $0xffff;
	v1 =	vmul.f32 v1, v29;
	v2 =	vnsel vm7, $0x0, v2;
	v0 =	vmul.f32 v0, v23  }
0x128: {  	v12 =	vnsel vm8, $0x0, v12;
	v6 =	vmul.f32 v18, v6;
	v5 =	vmul.f32 v13, v5;
	v13 =	vld [tilespmem:$0x1FFA0]  }
0x129: {  	v23 =	vld [tilespmem:$0x1FEE0];
	v18 =	vadd.f32 $3.999999900e-04, v18;
	v14 =	vmul.f32 v14, v25;
	v11 =	vmul.f32 v47, v17  }
0x12a: {  	v9 =	vnsel vm0, $0x0, v9;
	v17 =	vmul.f32 v2, v2;
	v7 =	vmul.f32 v7, v16;
	v16 =	vld [tilespmem:$0x1FF60]  }
0x12b: {  	v4 =	vmul.f32 v4, v24;
	v8 =	vnsel vm4, $0x0, v8;
	v11 =	vnsel vm1, $0x0, v11  }
0x12c: {  	v2 =	vmul.f32 v17, v2;
	v5 =	vnsel vm11, $0x0, v5;
	v25 =	vmul.f32 v11, v11  }
0x12d: {  	v7 =	vnsel vm2, $0x0, v7;
	v13 =	vmul.f32 v15, v13;
	v15 =	vmul.f32 v3, v3  }
0x12e: {  	vm2 =	vgt.u32 v23, $0xA;
	v23 =	vld [tilespmem:$0x1FEF0];
	v20 =	vmul.f32 v7, v7;
	v11 =	vmul.f32 v25, v11  }
0x12f: {  	v10 =	vmul.f32 v10, v16;
	v16 =	vadd.f32 v22, v19;
	v19 =	vmul.f32 v8, v8  }
0x130: {  	v17 =	vadd.f32 $3.999999900e-04, v17;
	v22 =	vmul.f32 v9, v9;
	v3 =	vmul.f32 v15, v3  }
0x131: {  	v7 =	vmul.f32 v20, v7;
	v13 =	vnsel vm12, $0x0, v13;
	v15 =	vadd.f32 $3.999999900e-04, v15  }
0x132: {  	v20 =	vadd.f32 $3.999999900e-04, v20;
	v10 =	vnsel vm3, $0x0, v10;
	v16 =	vmul.f32 v16, v26  }
0x133: {  	vm0 =	vgt.u32 v23, $0xA;
	v23 =	vld [tilespmem:$0x1FF00];
	v8 =	vmul.f32 v19, v8;
	v9 =	vmul.f32 v22, v9  }
0x134: {  	v19 =	vadd.f32 $3.999999900e-04, v19;
	(erf) = vrcp.f32 v15;
	v15 =	vmul.f32 v13, v13  }
0x135: {  	v21 =	vmul.f32 v10, v10;
	(erf) = vrcp.f32 v18;
	v18 =	vadd.f32 $3.999999900e-04, v22  }
0x136: {  	v22 =	vadd.f32 $3.999999900e-04, v25;
	v0 =	vnsel vm0, $0x0, v0;
	(erf) = vrcp.f32 v17  }
0x137: {  	v10 =	vmul.f32 v21, v10;
	v21 =	vadd.f32 $3.999999900e-04, v21;
	(erf) = vrcp.f32 v19  }
0x138: {  	(erf) = vrcp.f32 v20;
	vm1 =	vgt.u32 v23, $0xA;
	v23 =	vmul.f32 v5, v5  }
0x139: {  	v17 =	vmul.f32 v12, v12;
	(erf) = vrcp.f32 v21;
	v4 =	vnsel vm1, $0x0, v4  }
0x13a: {  	(erf) = vrcp.f32 v18;
	v18 =	vmul.f32 v0, v0;
	v24 =	vadd.f32 $3.999999900e-04, v23  }
0x13b: {  	v25 =	vadd.f32 $3.999999900e-04, v15;
	(erf) = vrcp.f32 v22;
	v22 =	vmul.f32 v4, v4  }
0x13c: {  	v13 =	vmul.f32 v15, v13;
	v5 =	vmul.f32 v23, v5;
	v23 =	vadd.f32 $3.999999900e-04, v18  }
0x13d: {  	v26 =	vadd.f32 $3.999999900e-04, v17;
	(erf) = vrcp.f32 v24;
	v15 =	vadd.f32 $3.999999900e-04, v22  }
0x13e: {  	v1 =	vnsel vm9, $0x0, v1;
	(erf) = vrcp.f32 v25;
	v24 =	vpop (erf)  }
0x13f: {  	v14 =	vnsel vm10, $0x0, v14;
	v19 =	vmul.f32 v1, v1;
	(erf) = vrcp.f32 v26;
	v25 =	vpop (erf)  }
0x140: {  	v20 =	vmul.f32 v14, v14;
	(erf) = vrcp.f32 v23;
	v23 =	vpop (erf)  }
0x141: {  	(erf) = vrcp.f32 v15;
	v15 =	vpop (erf)  }
0x142: {  	v12 =	vmul.f32 v17, v12;
	v17 =	vadd.f32 $3.999999900e-04, v20;
	v26 =	vpop (erf)  }
0x143: {  	v0 =	vmul.f32 v18, v0;
	v18 =	vpop (erf)  }
0x144: {  	v1 =	vmul.f32 v19, v1;
	(erf) = vrcp.f32 v17;
	v17 =	vadd.f32 $3.999999900e-04, v19;
	v19 =	vpop (erf)  }
0x145: {  	v9 =	vmul.f32 v19, v9;
	v19 =	vld [tilespmem:$0x1FFB0]  }
0x146: {  	v16 =	vnsel vm2, $0x0, v16  }
0x147: {  	v21 =	vmul.f32 v16, v16;
	_ =	sdelay $0x1  }
0x148: {  	v14 =	vmul.f32 v20, v14;
	v20 =	vadd.f32 $3.999999900e-04, v21  }
0x149: {  	v9 =	vadd.f32 v9, v19;
	v19 =	vld [tilespmem:$0x1FFC0]  }
0x14a: {  	(erf) = vrcp.f32 v20  }
0x14b: {  	(erf) = vrcp.f32 v17;
	v17 =	vpop (erf)  }
0x14c: {  	v11 =	vmul.f32 v17, v11;
	_ =	sdelay $0x1  }
0x14d: {  	v11 =	vadd.f32 v11, v19;
	v19 =	vld [tilespmem:$0x1FFD0];
	_ =	sdelay $0x1  }
0x14e: {  	v20 =	vpop (erf)  }
0x14f: {  	v16 =	vmul.f32 v21, v16;
	v21 =	vpop (erf);
	v5 =	vmul.f32 v20, v5  }
0x150: {  	v4 =	vmul.f32 v22, v4;
	v17 =	vpop (erf)  }
0x151: {  	v7 =	vmul.f32 v26, v7;
	v10 =	vmul.f32 v18, v10;
	v18 =	vpop (erf);
	v5 =	vadd.f32 v5, v19;
	v19 =	vld [tilespmem:$0x1FFE0]  }
0x152: {  	v3 =	vmul.f32 v24, v3;
	v0 =	vmul.f32 v18, v0;
	v18 =	vpop (erf)  }
0x153: {  	v2 =	vmul.f32 v23, v2;
	v8 =	vmul.f32 v15, v8;
	v15 =	vpop (erf);
	v7 =	vadd.f32 v7, v9  }
0x154: {  	v13 =	vmul.f32 v21, v13;
	v49 =	vmul.f32 v15, v14;
	v48 =	vadd.f32 v10, v11  }
0x155: {  	v2 =	vadd.f32 v2, v7;
	v0 =	vadd.f32 v0, v5;
	v5 =	vmul.f32 v25, v6  }
0x156: {  	v4 =	vmul.f32 v18, v4;
	v7 =	vadd.f32 v8, v48;
	v13 =	vadd.f32 v13, v19  }
0x157: {  	v2 =	vadd.f32 v3, v2;
	v8 =	vmul.f32 v17, v12;
	v6 =	vpop (erf);
	v0 =	vadd.f32 v49, v0  }
0x158: {  	v6 =	vmul.f32 v6, v16;
	v3 =	vadd.f32 v5, v7;
	v4 =	vadd.f32 v4, v13  }
0x159: {  	v5 =	vpop (erf);
	v0 =	vadd.f32 v8, v0  }
0x15a: {  	v2 =	vadd.f32 v3, v2;
	v1 =	vmul.f32 v5, v1;
	v4 =	vadd.f32 v6, v4  }
0x15b: {  	v3 =	vld [tilespmem:$0x11000]  }
0x15c: {  	v0 =	vadd.f32 v0, v2;
	v1 =	vadd.f32 v1, v4;
	_ =	sdelay $0x1  }
0x15d: {  	v0 =	vadd.f32 v1, v0  }
0x15e: {  	p0 =	seq.s32 s29, $0x3  }
0x15f: {  	s0 =	sadd.s32 @!p0 s30, s12;
	v0 =	vadd.f32 v3, v0  }
0x160: {  	s5 =	simm.s32 @!p0 $0x200;
	s0 =	sshrl.u32 @!p0 s0, $0x3  }
0x161: {  	s6 =	simm.s32 @!p0 $0x400;
	s9 =	simm.s32 @!p0 $0x1000;
	s1 =	sadd.s32 @!p0 s2, s0;
	[tilespmem:$0x11000] =	vst v0  }
0x162: {  	[tilespmem:s9], [sflag:$0x1] =	stream.strided.gather @!p0 [hbm4b:s1+s5], $0x4000, s6, s5, $0x38;
	[tilespmem:$0x13080] =	vst v63  }
0x163: {  	s0 =	sadd.s32 @!p0 s3, s0;
	s1 =	simm.s32 @!p0 $0x9000  }
0x164: {  	[tilespmem:s1], [sflag:$0x1] =	stream.strided.gather @!p0 [hbm4b:s0+s5], $0x4000, s6, s5, $0x38;
	[tilespmem:$0x13080] =	vst v63  }
0x165: {  	_ =	swait.ge [sflag:s25], $0x4000  }
0x166: {  	[sflag:s25] =	ssyncset.done $0x0  }
0x167: {  	[sflag:s25] =	ssyncadd.s32 $0xFFFFC000  }
0x168: {  	s30 =	simm.s32 $0x0;
	s0 =	simm.s32 $0x30;
	_ =	swait.ge [sflag:s25], $0x4000  }
0x169: {  	s31 =	sand.u32 $0x3E00, s30;
	s11 =	sand.u32 $0x70, s0;
	[sflag:s25] =	ssyncset.done $0x0  }
0x16a: {  	s6 =	simm.s32 $0x20;
	s5 =	sor.u32 s11, s31;
	v6 =	vld [tilespmem:$0x1FFF0];
	[sflag:s25] =	ssyncadd.s32 $0xFFFFC000  }
0x16b: {  	s17 =	sand.u32 $0x60, s6;
	v0 =	vld [tilespmem:s5+$0xD000]  }
0x16c: {  	s10 =	simm.s32 $0x10;
	s9 =	sor.u32 s17, s31;
	v1 =	vld [tilespmem:s5+$0xD080]  }
0x16d: {  	s11 =	sand.u32 $0x50, s10;
	v50 =	vld [tilespmem:s9+$0xD000]  }
0x16e: {  	s11 =	sor.u32 s11, s31;
	v12 =	vld [tilespmem:s9+$0xD080]  }
0x16f: {  	s17 =	sand.u32 $0x40, s30;
	v51 =	vld [tilespmem:s11+$0xD000]  }
0x170: {  	s1 =	sor.u32 s17, s31;
	v52 =	vld [tilespmem:s11+$0xD080]  }
0x171: {  	v53 =	vld [tilespmem:s1+$0xD000]  }
0x172: {  	v3 =	vld [tilespmem:s1+$0xD080]  }
0x173: {  	v2 =	vld [tilespmem:s5+$0x5000]  }
0x174: {  	v4 =	vld [tilespmem:s5+$0x5080]  }
0x175: {  	v5 =	vld [tilespmem:s9+$0x5000]  }
0x176: {  	s18 =	sand.u32 $0x7, s30;
	v7 =	vld [tilespmem:s9+$0x5080]  }
0x177: {  	v8 =	vld [tilespmem:s11+$0x5000];
	s9 =	sshll.u32 s18, $0x4  }
0x178: {  	v13 =	vld [tilespmem:s11+$0x5080];
	s9 =	sadd.s32 $0x0, s9  }
0x179: {  	s26 =	sand.u32 $0x3, s30;
	v14 =	vld [tilespmem:s1+$0x5000];
	s31 =	sadd.s32 $0x30, s9  }
0x17a: {  	p0 =	por $0x0, $0x0;
	s5 =	simm.s32 $0x1;
	v15 =	vld [tilespmem:s1+$0x5080];
	s18 =	sor.u32 $0x4100, s31  }
0x17b: {  	s5 =	simm.s32 @!p0 $0x0;
	s9 =	sadd.s32 $0x10, s9;
	s1 =	sor.u32 $0x4180, s31;
	v39 =	vld [tilespmem:s18+$0x9000]  }
0x17c: {  	s11 =	sshll.u32 s26, $0x5;
	s5 =	sshll.u32 s5, $0x6;
	s26 =	sor.u32 $0x4100, s9;
	v28 =	vld [tilespmem:s1+$0x9000]  }
0x17d: {  	s5 =	sadd.s32 $0x0, s5;
	s9 =	sor.u32 $0x4180, s9;
	v35 =	vld [tilespmem:s26+$0x9000]  }
0x17e: {  	s22 =	sor.u32 $0x4100, s5;
	v37 =	vld [tilespmem:s9+$0x9000]  }
0x17f: {  	s5 =	sor.u32 $0x4180, s5;
	v16 =	vld [tilespmem:s22+$0x9000]  }
0x180: {  	s17 =	sadd.s32 $0x0, s11;
	v17 =	vld [tilespmem:s5+$0x9000]  }
0x181: {  	v19 =	vadd.s32 s30, v6;
	v20 =	vadd.s32 s0, v6;
	s0 =	sadd.s32 $0x20, s17;
	v18 =	vld [tilespmem:s22+$0x1000]  }
0x182: {  	v22 =	vadd.s32 s6, v6;
	v23 =	vadd.s32 s10, v6;
	v21 =	vld [tilespmem:s5+$0x1000];
	v24 =	vsub.s32 v0, v20;
	s22 =	sor.u32 $0x4100, s0  }
0x183: {  	v26 =	vsub.s32 v1, v20;
	v27 =	vsub.s32 v50, v22;
	v29 =	vsub.s32 v51, v23;
	s0 =	sor.u32 $0x4180, s0;
	v31 =	vld [tilespmem:s22+$0x9000]  }
0x184: {  	v30 =	vsub.s32 v12, v22;
	v2 =	vmul.f32 $2.560000000e+02, v2;
	v5 =	vmul.f32 $2.560000000e+02, v5;
	v33 =	vld [tilespmem:s0+$0x9000]  }
0x185: {  	v4 =	vmul.f32 $2.560000000e+02, v4;
	v8 =	vmul.f32 $2.560000000e+02, v8;
	vm6 =	vgt.u32 v24, $0xA;
	v24 =	vld [tilespmem:s18+$0x1000]  }
0x186: {  	v56 =	vsub.s32 v53, v19;
	v57 =	vsub.s32 v3, v19;
	vm7 =	vgt.u32 v27, $0xA;
	v27 =	vld [tilespmem:s22+$0x1000]  }
0x187: {  	vm5 =	vgt.u32 v26, $0xA;
	vm2 =	vgt.u32 v29, $0xA;
	v58 =	vadd.f32 $1.016025630e+03, v4;
	v4 =	vld [tilespmem:s26+$0x1000]  }
0x188: {  	vm4 =	vgt.u32 v30, $0xA;
	v26 =	vld [tilespmem:s1+$0x1000];
	v29 =	vadd.f32 $1.016025630e+03, v2;
	v2 =	vadd.f32 $1.016025630e+03, v5  }
0x189: {  	v30 =	vld [tilespmem:s0+$0x1000];
	v59 =	vadd.f32 $1.016025630e+03, v8;
	v41 =	vsub.s32 v39, v20;
	v5 =	vsub.s32 v31, v22  }
0x18a: {  	v8 =	vsub.s32 v16, v19;
	v43 =	vsub.s32 v17, v19;
	v19 =	vld [tilespmem:s9+$0x1000];
	[tilespmem:$0x1FE40] =	vst v5;
	v5 =	vsub.s32 v33, v22  }
0x18b: {  	s31 =	simm.s32 $0x0;
	v40 =	vsub.s32 v28, v20;
	v20 =	vmul.f32 $2.560000000e+02, v24;
	[tilespmem:$0x1FD90] =	vst v5;
	v5 =	vsub.s32 v35, v23  }
0x18c: {  	v24 =	vmul.f32 $2.560000000e+02, v27;
	v27 =	vmul.f32 $2.560000000e+02, v4;
	v4 =	vsub.s32 v37, v23;
	v25 =	vld [tilespmem:s31+$0x30];
	[tilespmem:$0x1FDA0] =	vst v5  }
0x18d: {  	v6 =	vld [tilespmem:s31+$0x20];
	[tilespmem:$0x1FDB0] =	vst v4  }
0x18e: {  	v55 =	vsub.s32 v52, v23;
	v23 =	vld [tilespmem:s31+$0x10]  }
0x18f: {  	v34 =	vld [tilespmem:s31+$0x0]  }
0x190: {  	v7 =	vmul.f32 $2.560000000e+02, v7;
	v0 =	vld.idx.msk [tilespmem:v0+s4+$0x0], $0xffff  }
0x191: {  	v1 =	vld.idx.msk [tilespmem:v1+s4+$0x0], $0xffff  }
0x192: {  	v60 =	vadd.f32 $1.016025630e+03, v7;
	v7 =	vmul.f32 $2.560000000e+02, v19;
	v19 =	vmax.f32 v2, $0.0e+00;
	v2 =	vld.idx.msk [tilespmem:v50+s4+$0x0], $0xffff  }
0x193: {  	v12 =	vld.idx.msk [tilespmem:v12+s4+$0x0], $0xffff  }
0x194: {  	v14 =	vmul.f32 $2.560000000e+02, v14;
	v13 =	vmul.f32 $2.560000000e+02, v13;
	v11 =	vld.idx.msk [tilespmem:v51+s4+$0x0], $0xffff  }
0x195: {  	v15 =	vmul.f32 $2.560000000e+02, v15;
	v10 =	vld.idx.msk [tilespmem:v52+s4+$0x0], $0xffff  }
0x196: {  	v14 =	vadd.f32 $1.016025630e+03, v14;
	v13 =	vadd.f32 $1.016025630e+03, v13;
	v4 =	vld.idx.msk [tilespmem:v53+s4+$0x0], $0xffff  }
0x197: {  	v15 =	vadd.f32 $1.016025630e+03, v15;
	v3 =	vld.idx.msk [tilespmem:v3+s4+$0x0], $0xffff  }
0x198: {  	vm0 =	vgt.u32 v56, $0xA;
	v13 =	vmax.f32 v13, $0.0e+00;
	v14 =	vmax.f32 v14, $0.0e+00;
	v51 =	vld.idx.msk [tilespmem:v16+s4+$0x0], $0xffff  }
0x199: {  	v15 =	vmax.f32 v15, $0.0e+00;
	v56 =	vmin.f32 v13, $4.095999020e+03;
	v46 =	vmin.f32 v14, $4.095999020e+03;
	v32 =	vld.idx.msk [tilespmem:v17+s4+$0x0], $0xffff  }
0x19a: {  	v54 =	vmin.f32 v15, $4.095999020e+03;
	v15 =	vtrunc.f32 v46;
	v36 =	vtrunc.f32 v56;
	v9 =	vld.idx.msk [tilespmem:v39+s4+$0x0], $0xffff  }
0x19b: {  	vm3 =	vgt.u32 v55, $0xA;
	v55 =	vcvt.f32.s32 v15;
	v15 =	vld.idx.msk [tilespmem:v28+s4+$0x0], $0xffff;
	v0 =	vmul.f32 v0, v25  }
0x19c: {  	v61 =	vmax.f32 v59, $0.0e+00;
	v21 =	vmul.f32 $2.560000000e+02, v21;
	v48 =	vcvt.f32.s32 v36;
	v36 =	vld.idx.msk [tilespmem:v31+s4+$0x0], $0xffff  }
0x19d: {  	v29 =	vmax.f32 v29, $0.0e+00;
	v44 =	vmin.f32 v61, $4.095999020e+03;
	v61 =	vld.idx.msk [tilespmem:v33+s4+$0x0], $0xffff;
	[tilespmem:$0x1FDC0] =	vst v0;
	v0 =	vmul.f32 v1, v25  }
0x19e: {  	v38 =	vmax.f32 v60, $0.0e+00;
	v29 =	vmin.f32 v29, $4.095999020e+03;
	v21 =	vadd.f32 $1.016025630e+03, v21  }
0x19f: {  	v38 =	vmin.f32 v38, $4.095999020e+03;
	v14 =	vtrunc.f32 v44;
	[tilespmem:$0x1FDD0] =	vst v0;
	v0 =	vmul.f32 v2, v6  }
0x1a0: {  	v22 =	vmul.f32 $2.560000000e+02, v26;
	v52 =	vcvt.f32.s32 v14;
	v14 =	vmax.f32 v21, $0.0e+00  }
0x1a1: {  	v26 =	vmul.f32 $2.560000000e+02, v30;
	v47 =	vmin.f32 v14, $4.095999020e+03;
	v14 =	vld.idx.msk [tilespmem:v35+s4+$0x0], $0xffff;
	[tilespmem:$0x1FDE0] =	vst v0;
	v0 =	vmul.f32 v12, v6  }
0x1a2: {  	v59 =	vmin.f32 v19, $4.095999020e+03;
	v19 =	vadd.f32 $1.016025630e+03, v20;
	v20 =	vtrunc.f32 v29  }
0x1a3: {  	v30 =	vmax.f32 v58, $0.0e+00;
	v50 =	vcvt.f32.s32 v20;
	[tilespmem:$0x1FDF0] =	vst v0;
	v0 =	vmul.f32 v11, v23  }
0x1a4: {  	v63 =	vtrunc.f32 v38;
	v30 =	vmin.f32 v30, $4.095999020e+03;
	v13 =	vadd.f32 $1.016025630e+03, v22  }
0x1a5: {  	v22 =	vadd.f32 $1.016025630e+03, v24;
	v62 =	vtrunc.f32 v30;
	v60 =	vld.idx.msk [tilespmem:v37+s4+$0x0], $0xffff;
	[tilespmem:$0x1FE00] =	vst v0;
	v0 =	vmul.f32 v10, v23  }
0x1a6: {  	v24 =	vtrunc.f32 v59;
	v20 =	vadd.f32 $1.016025630e+03, v27;
	v27 =	vcvt.f32.s32 v62  }
0x1a7: {  	vm1 =	vgt.u32 v57, $0xA;
	v24 =	vcvt.f32.s32 v24;
	[tilespmem:$0x1FE10] =	vst v0;
	v0 =	vmul.f32 v4, v34  }
0x1a8: {  	v18 =	vmul.f32 $2.560000000e+02, v18;
	vm8 =	vgt.u32 v41, $0xA;
	v45 =	vcvt.f32.s32 v63  }
0x1a9: {  	vm9 =	vgt.u32 v40, $0xA;
	v42 =	vtrunc.f32 v54;
	v12 =	vld.idx.msk [tilespmem:v50+s19+$0x0], $0xffff;
	[tilespmem:$0x1FE20] =	vst v0;
	v0 =	vmul.f32 v3, v34  }
0x1aa: {  	vm11 =	vgt.u32 v8, $0xA;
	v18 =	vadd.f32 $1.016025630e+03, v18;
	v57 =	vcvt.f32.s32 v42  }
0x1ab: {  	vm12 =	vgt.u32 v43, $0xA;
	v26 =	vadd.f32 $1.016025630e+03, v26;
	v42 =	vcvt.s32.f32 v48;
	[tilespmem:$0x1FE30] =	vst v0;
	v0 =	vld [tilespmem:$0x1FE40]  }
0x1ac: {  	v43 =	vcvt.s32.f32 v57;
	v16 =	vmax.f32 v18, $0.0e+00;
	v21 =	vmax.f32 v13, $0.0e+00;
	v13 =	vld.idx.msk [tilespmem:v27+s19+$0x0], $0xffff  }
0x1ad: {  	v53 =	vcvt.s32.f32 v45;
	v39 =	vcvt.s32.f32 v55;
	v58 =	vmin.f32 v16, $4.095999020e+03;
	v16 =	vld.idx.msk [tilespmem:v24+s19+$0x0], $0xffff  }
0x1ae: {  	v42 =	vsub.f32 v56, v42;
	v63 =	vmin.f32 v21, $4.095999020e+03;
	v33 =	vmax.f32 v20, $0.0e+00;
	v20 =	vld.idx.msk [tilespmem:v45+s19+$0x0], $0xffff  }
0x1af: {  	v19 =	vmax.f32 v19, $0.0e+00;
	v31 =	vtrunc.f32 v58;
	v49 =	vtrunc.f32 v47;
	v10 =	vld.idx.msk [tilespmem:v50+s21+$0x0], $0xffff  }
0x1b0: {  	v1 =	vmax.f32 v22, $0.0e+00;
	v22 =	vmax.f32 v26, $0.0e+00;
	v26 =	vmul.f32 v51, v34;
	v8 =	vld.idx.msk [tilespmem:v27+s21+$0x0], $0xffff  }
0x1b1: {  	v35 =	vcvt.s32.f32 v27;
	v28 =	vld.idx.msk [tilespmem:v52+s19+$0x0], $0xffff;
	vm10 =	vgt.u32 v0, $0xA;
	v0 =	vmul.f32 v32, v34  }
0x1b2: {  	v5 =	vmin.f32 v22, $4.095999020e+03;
	v2 =	vmin.f32 v1, $4.095999020e+03;
	v1 =	vcvt.f32.s32 v49;
	v22 =	vld.idx.msk [tilespmem:v48+s19+$0x0], $0xffff  }
0x1b3: {  	v11 =	vsub.f32 v30, v35;
	v30 =	vtrunc.f32 v5;
	v37 =	vcvt.s32.f32 v24;
	v17 =	vld.idx.msk [tilespmem:v24+s21+$0x0], $0xffff;
	[tilespmem:$0x1FE50] =	vst v0  }
0x1b4: {  	v56 =	vsub.f32 v46, v39;
	v35 =	vcvt.f32.s32 v30;
	v3 =	vcvt.s32.f32 v50;
	v40 =	vld.idx.msk [tilespmem:v45+s21+$0x0], $0xffff  }
0x1b5: {  	v62 =	vmin.f32 v19, $4.095999020e+03;
	v30 =	vmul.f32 v15, v25;
	v0 =	vcvt.f32.s32 v31;
	v31 =	vld.idx.msk [tilespmem:v55+s19+$0x0], $0xffff  }
0x1b6: {  	v4 =	vcvt.s32.f32 v52;
	v3 =	vsub.f32 v29, v3;
	v29 =	vtrunc.f32 v63;
	v50 =	vld.idx.msk [tilespmem:v52+s21+$0x0], $0xffff  }
0x1b7: {  	v33 =	vmin.f32 v33, $4.095999020e+03;
	v27 =	vtrunc.f32 v62;
	v24 =	vtrunc.f32 v2;
	v32 =	vld.idx.msk [tilespmem:v57+s19+$0x0], $0xffff  }
0x1b8: {  	v49 =	vsub.f32 v38, v53;
	v38 =	vcvt.f32.s32 v29;
	v29 =	vmul.f32 v9, v25;
	v51 =	vld.idx.msk [tilespmem:v48+s21+$0x0], $0xffff  }
0x1b9: {  	v59 =	vsub.f32 v59, v37;
	v25 =	vmul.f32 v36, v6;
	v41 =	vcvt.f32.s32 v27;
	v52 =	vld.idx.msk [tilespmem:v55+s21+$0x0], $0xffff  }
0x1ba: {  	v27 =	vadd.f32 $1.016025630e+03, v7;
	v37 =	vcvt.f32.s32 v24;
	v24 =	vmul.f32 v14, v23;
	v48 =	vld.idx.msk [tilespmem:v57+s21+$0x0], $0xffff  }
0x1bb: {  	v53 =	vsub.f32 v44, v4;
	v23 =	vmul.f32 v60, v23;
	v45 =	vtrunc.f32 v33;
	v36 =	vld.idx.msk [tilespmem:v0+s19+$0x0], $0xffff  }
0x1bc: {  	v4 =	vmax.f32 v27, $0.0e+00;
	v9 =	vcvt.s32.f32 v0;
	v44 =	vld.idx.msk [tilespmem:v0+s21+$0x0], $0xffff;
	v0 =	vcvt.s32.f32 v37  }
0x1bd: {  	v60 =	vsub.f32 v54, v43;
	v39 =	vld.idx.msk [tilespmem:v1+s19+$0x0], $0xffff;
	v34 =	vcvt.f32.s32 v45;
	v45 =	vmin.f32 v4, $4.095999020e+03  }
0x1be: {  	v46 =	vld.idx.msk [tilespmem:v1+s21+$0x0], $0xffff;
	v4 =	vcvt.s32.f32 v1;
	v54 =	vsub.f32 v2, v0;
	v0 =	vcvt.s32.f32 v35  }
0x1bf: {  	v27 =	vmul.f32 v61, v6;
	v6 =	vcvt.s32.f32 v41;
	v55 =	vld.idx.msk [tilespmem:v38+s21+$0x0], $0xffff  }
0x1c0: {  	v61 =	vsub.f32 v47, v4;
	v47 =	vld.idx.msk [tilespmem:v41+s21+$0x0], $0xffff;
	v0 =	vsub.f32 v5, v0;
	v5 =	vimm.f32 $0.0e+00  }
0x1c1: {  	v7 =	vimm.f32 $0.0e+00;
	v1 =	vcvt.s32.f32 v38;
	v2 =	vmul.f32 v59, v17;
	v59 =	vld.idx.msk [tilespmem:v37+s21+$0x0], $0xffff;
	[tilespmem:$0x1FE60] =	vst v5  }
0x1c2: {  	v57 =	vsub.f32 v58, v9;
	v9 =	vtrunc.f32 v45;
	v58 =	vsub.f32 v62, v6;
	v62 =	vld.idx.msk [tilespmem:v35+s21+$0x0], $0xffff  }
0x1c3: {  	v1 =	vsub.f32 v63, v1;
	v43 =	vcvt.f32.s32 v9;
	v63 =	vld.idx.msk [tilespmem:v34+s21+$0x0], $0xffff;
	[tilespmem:$0x1FE70] =	vst v7;
	v7 =	vimm.f32 $0.0e+00  }
0x1c4: {  	v3 =	vmul.f32 v3, v10;
	v4 =	vcvt.s32.f32 v34;
	[tilespmem:$0x1FE80] =	vst v7;
	v7 =	vimm.f32 $0.0e+00  }
0x1c5: {  	s17 =	simm.s32 $0x0;
	s0 =	simm.s32 $0x40;
	s1 =	simm.s32 $0x0;
	v6 =	vmul.f32 v11, v8;
	v5 =	vcvt.s32.f32 v43;
	[tilespmem:$0x1FE90] =	vst v7  }
.LBB2_5:
0x1c6: {  	v7 =	vld [tilespmem:$0x1FDC0];
	_ =	sdelay $0x2  }
0x1c7: {  	v3 =	vadd.f32 v3, v12;
	_ =	sdelay $0x1  }
0x1c8: {  	v3 =	vmul.f32 v3, v7;
	v7 =	vld [tilespmem:$0x1FDD0];
	_ =	sdelay $0x2  }
0x1c9: {  	v6 =	vadd.f32 v6, v13;
	_ =	sdelay $0x1  }
0x1ca: {  	v6 =	vmul.f32 v6, v7;
	v7 =	vld [tilespmem:$0x1FDE0];
	_ =	sdelay $0x2  }
0x1cb: {  	v2 =	vadd.f32 v2, v16;
	_ =	sdelay $0x1  }
0x1cc: {  	v2 =	vmul.f32 v2, v7;
	v7 =	vld [tilespmem:$0x1FDF0]  }
0x1cd: {  	v40 =	vmul.f32 v49, v40;
	_ =	sdelay $0x1  }
0x1ce: {  	v20 =	vadd.f32 v40, v20;
	_ =	sdelay $0x1  }
0x1cf: {  	v12 =	vmul.f32 v20, v7;
	v7 =	vld [tilespmem:$0x1FE00]  }
0x1d0: {  	v50 =	vmul.f32 v53, v50;
	_ =	sdelay $0x1  }
0x1d1: {  	v28 =	vadd.f32 v50, v28;
	_ =	sdelay $0x1  }
0x1d2: {  	v13 =	vmul.f32 v28, v7;
	v7 =	vld [tilespmem:$0x1FE10]  }
0x1d3: {  	v42 =	vmul.f32 v42, v51;
	_ =	sdelay $0x1  }
0x1d4: {  	v8 =	vmov v26;
	v26 =	vadd.f32 v42, v22  }
0x1d5: {  	v41 =	vld.idx.msk [tilespmem:v41+s19+$0x0], $0xffff  }
0x1d6: {  	v10 =	vmul.f32 v26, v7;
	v7 =	vld [tilespmem:$0x1FE20]  }
0x1d7: {  	v17 =	vld.idx.msk [tilespmem:v38+s19+$0x0], $0xffff;
	v56 =	vmul.f32 v56, v52  }
0x1d8: {  	v19 =	vld.idx.msk [tilespmem:v37+s19+$0x0], $0xffff;
	v4 =	vsub.f32 v33, v4;
	v46 =	vmul.f32 v61, v46  }
0x1d9: {  	v35 =	vld.idx.msk [tilespmem:v35+s19+$0x0], $0xffff;
	v60 =	vmul.f32 v60, v48;
	v18 =	vmul.f32 v57, v44;
	v31 =	vadd.f32 v56, v31  }
0x1da: {  	v34 =	vld.idx.msk [tilespmem:v34+s19+$0x0], $0xffff;
	s30 =	sadd.s32 $0x100, s30;
	s22 =	sadd.s32 $0x20, s0;
	v5 =	vsub.f32 v45, v5;
	v47 =	vmul.f32 v58, v47;
	v1 =	vmul.f32 v1, v55  }
0x1db: {  	s5 =	sand.u32 $0x3E00, s30;
	s9 =	sand.u32 $0x60, s22;
	v48 =	vmul.f32 v54, v59;
	v16 =	vadd.f32 v46, v39;
	v11 =	vmul.f32 v31, v7;
	v7 =	vld [tilespmem:$0x1FE30]  }
0x1dc: {  	s9 =	sor.u32 s9, s5;
	v53 =	vld.idx.msk [tilespmem:v43+s21+$0x0], $0xffff;
	v0 =	vmul.f32 v0, v62;
	v15 =	vadd.f32 v18, v36;
	v18 =	vadd.f32 v47, v41  }
0x1dd: {  	v4 =	vmul.f32 v4, v63;
	v63 =	vld [tilespmem:s9+$0x5080];
	v1 =	vadd.f32 v1, v17;
	v17 =	vadd.f32 v48, v19  }
0x1de: {  	v14 =	vadd.f32 v60, v32;
	v0 =	vadd.f32 v0, v35;
	v18 =	vmul.f32 v18, v29  }
0x1df: {  	v50 =	vld.idx.msk [tilespmem:v43+s19+$0x0], $0xffff;
	v4 =	vadd.f32 v4, v34;
	v1 =	vmul.f32 v1, v30;
	v25 =	vmul.f32 v17, v25  }
0x1e0: {  	v0 =	vmul.f32 v0, v27;
	v2 =	vnsel vm7, $0x0, v2;
	v9 =	vmul.f32 v14, v7;
	v7 =	vld [tilespmem:$0x1FE50]  }
0x1e1: {  	v3 =	vnsel vm6, $0x0, v3;
	v4 =	vmul.f32 v4, v24;
	v19 =	vmul.f32 v2, v2  }
0x1e2: {  	v5 =	vmul.f32 v5, v53;
	v33 =	vmul.f32 $2.560000000e+02, v63;
	v6 =	vnsel vm5, $0x0, v6  }
0x1e3: {  	v2 =	vmul.f32 v19, v2;
	v53 =	vadd.f32 $3.999999900e-04, v19;
	v19 =	vnsel vm10, $0x0, v25  }
0x1e4: {  	v5 =	vadd.f32 v5, v50;
	v20 =	vmul.f32 v6, v6;
	v25 =	vmul.f32 v19, v19  }
0x1e5: {  	v12 =	vnsel vm4, $0x0, v12;
	v14 =	vmul.f32 v15, v8;
	v15 =	vmul.f32 v16, v7;
	v7 =	vld [tilespmem:$0x1FD90]  }
0x1e6: {  	v1 =	vnsel vm9, $0x0, v1;
	v5 =	vmul.f32 v5, v23;
	v21 =	vmul.f32 v12, v12  }
0x1e7: {  	v6 =	vmul.f32 v20, v6;
	v19 =	vmul.f32 v25, v19;
	v10 =	vnsel vm3, $0x0, v10  }
0x1e8: {  	v23 =	vmul.f32 v21, v12;
	v13 =	vnsel vm2, $0x0, v13;
	v26 =	vmul.f32 v10, v10  }
0x1e9: {  	v22 =	vmul.f32 v13, v13;
	v11 =	vnsel vm0, $0x0, v11;
	v16 =	vmul.f32 v3, v3  }
0x1ea: {  	v24 =	vmul.f32 v26, v10;
	v28 =	vmul.f32 v11, v11;
	vm2 =	vgt.u32 v7, $0xA;
	v7 =	vld [tilespmem:$0x1FDA0]  }
0x1eb: {  	v8 =	vmul.f32 v22, v13;
	v9 =	vnsel vm1, $0x0, v9;
	v51 =	vadd.f32 $3.999999900e-04, v16  }
0x1ec: {  	v52 =	vadd.f32 $3.999999900e-04, v20;
	v17 =	vmul.f32 v28, v11;
	v27 =	vmul.f32 v9, v9  }
0x1ed: {  	v13 =	vadd.f32 $3.999999900e-04, v21;
	v54 =	vadd.f32 $3.999999900e-04, v28;
	(erf) = vrcp.f32 v51  }
0x1ee: {  	s18 =	sadd.s32 $0x30, s0;
	s26 =	sadd.s32 $0x10, s0;
	v29 =	vmul.f32 v27, v9;
	v12 =	vnsel vm12, $0x0, v15;
	(erf) = vrcp.f32 v52  }
0x1ef: {  	s6 =	sand.u32 $0x70, s18;
	s11 =	sand.u32 $0x50, s26;
	v15 =	vadd.f32 $3.999999900e-04, v22;
	v22 =	vmul.f32 v1, v1;
	vm1 =	vgt.u32 v7, $0xA;
	v7 =	vld [tilespmem:$0x1FDB0]  }
0x1f0: {  	v49 =	vld [tilespmem:$0x1FE80];
	s10 =	sor.u32 s6, s5;
	s6 =	sor.u32 s11, s5;
	v55 =	vadd.f32 $3.999999900e-04, v27;
	v3 =	vmul.f32 v16, v3;
	v20 =	vmul.f32 v12, v12  }
0x1f1: {  	v45 =	vld [tilespmem:s6+$0x5080];
	v1 =	vmul.f32 v22, v1;
	v0 =	vnsel vm2, $0x0, v0;
	(erf) = vrcp.f32 v53  }
0x1f2: {  	v59 =	vld [tilespmem:s10+$0x5000];
	v16 =	vadd.f32 $3.999999900e-04, v26;
	(erf) = vrcp.f32 v13;
	v26 =	vmul.f32 v0, v0  }
0x1f3: {  	v9 =	vld [tilespmem:s10+$0xD000];
	v13 =	vadd.f32 $3.999999900e-04, v20;
	v20 =	vmul.f32 v20, v12;
	(erf) = vrcp.f32 v15  }
0x1f4: {  	v60 =	vld [tilespmem:$0x1FFF0];
	(erf) = vrcp.f32 v16;
	vm0 =	vgt.u32 v7, $0xA;
	v7 =	vnsel vm11, $0x0, v14  }
0x1f5: {  	v62 =	vld [tilespmem:s9+$0x5000];
	(erf) = vrcp.f32 v54;
	v14 =	vnsel vm8, $0x0, v18;
	v18 =	vmul.f32 v7, v7  }
0x1f6: {  	v44 =	vld [tilespmem:s6+$0x5000];
	v0 =	vmul.f32 v26, v0;
	v4 =	vnsel vm1, $0x0, v4;
	(erf) = vrcp.f32 v55;
	v30 =	vpop (erf)  }
0x1f7: {  	v47 =	vld [tilespmem:$0x1FE60];
	v27 =	vmul.f32 v4, v4;
	v57 =	vpop (erf);
	v3 =	vmul.f32 v30, v3;
	v56 =	vadd.f32 $3.999999900e-04, v18  }
0x1f8: {  	v10 =	vld [tilespmem:s10+$0xD080];
	v30 =	vmul.f32 v57, v6;
	v21 =	vmul.f32 v14, v14;
	v5 =	vnsel vm0, $0x0, v5  }
0x1f9: {  	v11 =	vld [tilespmem:s9+$0xD000];
	v6 =	vadd.s32 s18, v60;
	v28 =	vmul.f32 v5, v5;
	(erf) = vrcp.f32 v56  }
0x1fa: {  	s11 =	sand.u32 $0x40, s0;
	v12 =	vld [tilespmem:s9+$0xD080];
	v18 =	vmul.f32 v18, v7;
	v7 =	vadd.f32 $3.999999900e-04, v21;
	(erf) = vrcp.f32 v13  }
0x1fb: {  	p0 =	por !p0, !p0;
	s5 =	sor.u32 s11, s5;
	s9 =	simm.s32 $0x1;
	v15 =	vadd.f32 $3.999999900e-04, v27;
	v58 =	vpop (erf);
	v46 =	vsub.s32 v9, v6;
	v9 =	vld.idx.msk [tilespmem:v9+s4+$0x0], $0xffff;
	v31 =	vmul.f32 v21, v14  }
0x1fc: {  	s9 =	simm.s32 @!p0 $0x0;
	v14 =	vld [tilespmem:s5+$0xD000];
	v16 =	vadd.f32 $3.999999900e-04, v28;
	(erf) = vrcp.f32 v7;
	v7 =	vadd.f32 $3.999999900e-04, v25;
	v25 =	vpop (erf)  }
0x1fd: {  	s9 =	sshll.u32 s9, $0x6;
	v4 =	vmul.f32 v27, v4;
	v21 =	vadd.f32 $3.999999900e-04, v26;
	v13 =	vld [tilespmem:s6+$0xD000];
	(erf) = vrcp.f32 v15;
	v26 =	vpop (erf)  }
0x1fe: {  	s18 =	sadd.s32 s9, s30;
	v2 =	vmul.f32 v58, v2;
	v15 =	vld [tilespmem:s6+$0xD080];
	(erf) = vrcp.f32 v16;
	v27 =	vpop (erf)  }
0x1ff: {  	v22 =	vadd.f32 $3.999999900e-04, v22;
	v5 =	vmul.f32 v28, v5;
	s6 =	sor.u32 $0x4180, s18;
	v16 =	vld [tilespmem:s5+$0xD080];
	(erf) = vrcp.f32 v7;
	v28 =	vpop (erf)  }
0x200: {  	s17 =	sadd.s32 $0x2, s17;
	v52 =	vld [tilespmem:s6+$0x1000];
	(erf) = vrcp.f32 v21;
	v17 =	vmul.f32 v28, v17  }
0x201: {  	s31 =	sand.u32 $0x3, s17;
	v23 =	vmul.f32 v25, v23;
	v61 =	vpop (erf);
	(erf) = vrcp.f32 v22;
	v22 =	vld [tilespmem:s10+$0x5080]  }
0x202: {  	v26 =	vmul.f32 v26, v8;
	v8 =	vadd.s32 s26, v60;
	s26 =	sor.u32 $0x4100, s18;
	s10 =	sshll.u32 s31, $0x5;
	v38 =	vadd.f32 v17, v47;
	v17 =	vld [tilespmem:$0x1FE70];
	v25 =	vpop (erf)  }
0x203: {  	s1 =	sadd.s32 $0x4, s1;
	v24 =	vmul.f32 v27, v24;
	v51 =	vld [tilespmem:s26+$0x1000];
	s10 =	sadd.s32 s30, s10;
	v27 =	vpop (erf);
	v18 =	vmul.f32 v25, v18  }
0x204: {  	v7 =	vadd.s32 s22, v60;
	s22 =	sand.u32 $0x7, s1;
	s10 =	sadd.s32 $0x20, s10;
	v26 =	vadd.f32 v26, v38;
	v20 =	vmul.f32 v27, v20;
	v27 =	vld [tilespmem:s5+$0x5000]  }
0x205: {  	s9 =	sshll.u32 s22, $0x4;
	v28 =	vmul.f32 v61, v29;
	s22 =	sor.u32 $0x4100, s10;
	v29 =	vpop (erf);
	v39 =	vadd.f32 v18, v49;
	v18 =	vld [tilespmem:$0x1FE90]  }
0x206: {  	v33 =	vadd.f32 $1.016025630e+03, v33;
	s9 =	sadd.s32 s30, s9;
	v25 =	vpop (erf);
	v2 =	vadd.f32 v2, v26;
	v26 =	vld [tilespmem:s22+$0x9000]  }
0x207: {  	v53 =	vmul.f32 $2.560000000e+02, v45;
	s11 =	sadd.s32 $0x30, s9;
	s9 =	sadd.s32 $0x10, s9;
	v48 =	vadd.f32 v28, v17;
	v4 =	vmul.f32 v25, v4;
	v17 =	vpop (erf);
	v25 =	vld [tilespmem:s5+$0x5080]  }
0x208: {  	v22 =	vmul.f32 $2.560000000e+02, v22;
	v5 =	vmul.f32 v17, v5;
	v17 =	vld [tilespmem:s26+$0x9000];
	s26 =	sor.u32 $0x4100, s9;
	s9 =	sor.u32 $0x4180, s9  }
0x209: {  	v33 =	vmax.f32 v33, $0.0e+00;
	v56 =	vadd.f32 $1.016025630e+03, v53;
	v24 =	vadd.f32 v24, v48;
	v32 =	vld [tilespmem:s9+$0x9000]  }
0x20a: {  	v54 =	vadd.f32 $1.016025630e+03, v22;
	v4 =	vadd.f32 v4, v39;
	v57 =	vld [tilespmem:s9+$0x1000];
	v39 =	vmul.f32 $2.560000000e+02, v52  }
0x20b: {  	v40 =	vmax.f32 v56, $0.0e+00;
	v23 =	vadd.f32 v23, v24;
	v24 =	vmul.f32 v29, v31;
	v31 =	vld [tilespmem:s26+$0x9000]  }
0x20c: {  	v35 =	vmax.f32 v54, $0.0e+00;
	v61 =	vadd.f32 $1.016025630e+03, v39;
	v39 =	vmin.f32 v33, $4.095999020e+03;
	v33 =	vld.idx.msk [tilespmem:v15+s4+$0x0], $0xffff  }
0x20d: {  	v27 =	vmul.f32 $2.560000000e+02, v27;
	v50 =	vadd.f32 v20, v18;
	v18 =	vpop (erf);
	v49 =	vmin.f32 v35, $4.095999020e+03;
	v35 =	vld.idx.msk [tilespmem:v14+s4+$0x0], $0xffff  }
0x20e: {  	vm6 =	vgt.u32 v46, $0xA;
	v42 =	vmin.f32 v40, $4.095999020e+03;
	s31 =	sshra.s32 s30, $0x2;
	v19 =	vmul.f32 v18, v19;
	v18 =	vld [tilespmem:s6+$0x9000]  }
0x20f: {  	v21 =	vadd.s32 s0, v60;
	s10 =	sor.u32 $0x4180, s10;
	v2 =	vadd.f32 v3, v2;
	v28 =	vpop (erf);
	v55 =	vadd.f32 $1.016025630e+03, v27;
	v27 =	vld [tilespmem:s31+$0x20]  }
0x210: {  	s18 =	sor.u32 $0x4100, s11;
	v38 =	vmul.f32 $2.560000000e+02, v51;
	v29 =	vsub.s32 v16, v21;
	v0 =	vmul.f32 v28, v0;
	v28 =	vld [tilespmem:s10+$0x9000]  }
0x211: {  	s5 =	sor.u32 $0x4180, s11;
	[tilespmem:$0x1FE60] =	vst v2;
	v20 =	vpop (erf);
	v2 =	vadd.f32 v30, v23;
	v30 =	vmul.f32 $2.560000000e+02, v44;
	v4 =	vadd.f32 v19, v4;
	v19 =	vld [tilespmem:s18+$0x9000]  }
0x212: {  	v25 =	vmul.f32 $2.560000000e+02, v25;
	v5 =	vadd.f32 v5, v50;
	v1 =	vmul.f32 v20, v1;
	v20 =	vld [tilespmem:s5+$0x9000]  }
0x213: {  	vm1 =	vgt.u32 v29, $0xA;
	v23 =	vmul.f32 $2.560000000e+02, v62;
	v36 =	vadd.f32 $1.016025630e+03, v30;
	v30 =	vld [tilespmem:s26+$0x1000]  }
0x214: {  	v29 =	vsub.s32 v17, v21;
	v0 =	vadd.f32 v0, v5;
	v5 =	vsub.s32 v10, v6;
	v10 =	vld.idx.msk [tilespmem:v10+s4+$0x0], $0xffff  }
0x215: {  	v58 =	vadd.f32 $1.016025630e+03, v25;
	v37 =	vmax.f32 v55, $0.0e+00;
	[tilespmem:$0x1FE70] =	vst v2;
	v2 =	vsub.s32 v11, v7;
	v11 =	vld.idx.msk [tilespmem:v11+s4+$0x0], $0xffff  }
0x216: {  	v41 =	vmul.f32 $2.560000000e+02, v57;
	v46 =	vmin.f32 v37, $4.095999020e+03;
	v37 =	vld.idx.msk [tilespmem:v16+s4+$0x0], $0xffff;
	v16 =	vtrunc.f32 v39  }
0x217: {  	v3 =	vadd.f32 v24, v4;
	v4 =	vsub.s32 v15, v8;
	vm5 =	vgt.u32 v5, $0xA;
	v5 =	vld [tilespmem:s18+$0x1000]  }
0x218: {  	v24 =	vsub.s32 v14, v21;
	vm7 =	vgt.u32 v2, $0xA;
	v60 =	vmax.f32 v58, $0.0e+00;
	v53 =	vld.idx.msk [tilespmem:v17+s4+$0x0], $0xffff  }
0x219: {  	v14 =	vtrunc.f32 v49;
	v62 =	vtrunc.f32 v46;
	vm3 =	vgt.u32 v4, $0xA;
	v4 =	vld [tilespmem:s10+$0x1000]  }
0x21a: {  	v17 =	vtrunc.f32 v42;
	v52 =	vcvt.f32.s32 v16;
	vm0 =	vgt.u32 v24, $0xA;
	v24 =	vld [tilespmem:s31+$0x30]  }
0x21b: {  	v0 =	vadd.f32 v1, v0;
	v1 =	vsub.s32 v12, v7;
	v21 =	vsub.s32 v18, v21;
	v54 =	vld.idx.msk [tilespmem:v32+s4+$0x0], $0xffff  }
0x21c: {  	[tilespmem:$0x1FE80] =	vst v3;
	v3 =	vmul.f32 $2.560000000e+02, v59;
	vm4 =	vgt.u32 v1, $0xA;
	v1 =	vld [tilespmem:s22+$0x1000];
	v59 =	vmax.f32 v36, $0.0e+00  }
0x21d: {  	v47 =	vmin.f32 v60, $4.095999020e+03;
	[tilespmem:$0x1FE90] =	vst v0;
	v0 =	vsub.s32 v13, v8;
	v44 =	vmin.f32 v59, $4.095999020e+03;
	v59 =	vld.idx.msk [tilespmem:v26+s4+$0x0], $0xffff  }
0x21e: {  	v51 =	vcvt.f32.s32 v14;
	v57 =	vcvt.f32.s32 v62;
	vm2 =	vgt.u32 v0, $0xA;
	v0 =	vld [tilespmem:s5+$0x1000]  }
0x21f: {  	v58 =	vcvt.f32.s32 v17;
	v2 =	vadd.f32 $1.016025630e+03, v3;
	v3 =	vadd.f32 $1.016025630e+03, v23;
	v23 =	vld [tilespmem:s31+$0x10]  }
0x220: {  	[tilespmem:$0x1FD30] =	vst v21;
	v63 =	vtrunc.f32 v47;
	v34 =	vsub.s32 v19, v6;
	v6 =	vsub.s32 v20, v6;
	v25 =	vld.idx.msk [tilespmem:v18+s4+$0x0], $0xffff  }
0x221: {  	v21 =	vsub.s32 v26, v7;
	v60 =	vcvt.f32.s32 v63;
	[tilespmem:$0x1FD40] =	vst v6;
	v6 =	vsub.s32 v28, v7;
	v63 =	vld.idx.msk [tilespmem:v28+s4+$0x0], $0xffff  }
0x222: {  	v7 =	vsub.s32 v32, v8;
	[tilespmem:$0x1FD90] =	vst v6;
	v6 =	vsub.s32 v31, v8;
	v8 =	vld.idx.msk [tilespmem:v31+s4+$0x0], $0xffff;
	v2 =	vmax.f32 v2, $0.0e+00  }
0x223: {  	v17 =	vcvt.s32.f32 v57;
	v5 =	vmul.f32 $2.560000000e+02, v5;
	v48 =	vmin.f32 v2, $4.095999020e+03;
	v2 =	vld.idx.msk [tilespmem:v12+s4+$0x0], $0xffff  }
0x224: {  	v15 =	vtrunc.f32 v44;
	[tilespmem:$0x1FDA0] =	vst v6;
	v6 =	vmul.f32 $2.560000000e+02, v30;
	v30 =	vld [tilespmem:s31+$0x0];
	v3 =	vmax.f32 v3, $0.0e+00  }
0x225: {  	v4 =	vmul.f32 $2.560000000e+02, v4;
	v36 =	vmin.f32 v3, $4.095999020e+03;
	v3 =	vadd.f32 $1.016025630e+03, v5;
	v5 =	vld.idx.msk [tilespmem:v13+s4+$0x0], $0xffff  }
0x226: {  	v38 =	vadd.f32 $1.016025630e+03, v38;
	v40 =	vmul.f32 v11, v27;
	v55 =	vld.idx.msk [tilespmem:v19+s4+$0x0], $0xffff;
	v12 =	vtrunc.f32 v48  }
0x227: {  	v56 =	vld.idx.msk [tilespmem:v20+s4+$0x0], $0xffff;
	v4 =	vadd.f32 $1.016025630e+03, v4;
	v13 =	vtrunc.f32 v36;
	v45 =	vcvt.f32.s32 v12  }
0x228: {  	[tilespmem:$0x1FDE0] =	vst v40;
	v40 =	vld.idx.msk [tilespmem:v52+s21+$0x0], $0xffff;
	v12 =	vmax.f32 v38, $0.0e+00;
	v38 =	vcvt.f32.s32 v13;
	v2 =	vmul.f32 v2, v27  }
0x229: {  	vm11 =	vgt.u32 v29, $0xA;
	v50 =	vcvt.f32.s32 v15;
	v9 =	vmul.f32 v9, v24;
	v16 =	vld.idx.msk [tilespmem:v51+s21+$0x0], $0xffff  }
0x22a: {  	v32 =	vmul.f32 v10, v24;
	v22 =	vld.idx.msk [tilespmem:v58+s19+$0x0], $0xffff;
	[tilespmem:$0x1FDF0] =	vst v2;
	v2 =	vmax.f32 v4, $0.0e+00;
	v4 =	vmul.f32 v5, v23  }
0x22b: {  	v41 =	vadd.f32 $1.016025630e+03, v41;
	v10 =	vcvt.s32.f32 v51;
	[tilespmem:$0x1FDC0] =	vst v9;
	v0 =	vmul.f32 $2.560000000e+02, v0;
	v5 =	vld.idx.msk [tilespmem:v51+s19+$0x0], $0xffff  }
0x22c: {  	v1 =	vmul.f32 $2.560000000e+02, v1;
	v31 =	vld.idx.msk [tilespmem:v57+s19+$0x0], $0xffff;
	v6 =	vadd.f32 $1.016025630e+03, v6;
	[tilespmem:$0x1FE00] =	vst v4;
	v4 =	vmul.f32 v33, v23  }
0x22d: {  	v14 =	vcvt.s32.f32 v50;
	[tilespmem:$0x1FDD0] =	vst v32;
	v9 =	vcvt.s32.f32 v52;
	v32 =	vld.idx.msk [tilespmem:v60+s19+$0x0], $0xffff;
	v0 =	vadd.f32 $1.016025630e+03, v0  }
0x22e: {  	v1 =	vadd.f32 $1.016025630e+03, v1;
	v13 =	vmax.f32 v61, $0.0e+00;
	[tilespmem:$0x1FE10] =	vst v4;
	v4 =	vmax.f32 v6, $0.0e+00;
	v6 =	vld.idx.msk [tilespmem:v38+s19+$0x0], $0xffff  }
0x22f: {  	v3 =	vmax.f32 v3, $0.0e+00;
	v61 =	vmin.f32 v12, $4.095999020e+03;
	v28 =	vld.idx.msk [tilespmem:v50+s19+$0x0], $0xffff;
	v0 =	vmax.f32 v0, $0.0e+00  }
0x230: {  	v62 =	vmin.f32 v13, $4.095999020e+03;
	v50 =	vld.idx.msk [tilespmem:v50+s21+$0x0], $0xffff;
	v0 =	vmin.f32 v0, $4.095999020e+03;
	[tilespmem:$0x1FD60] =	vst v5;
	v5 =	vmul.f32 v35, v30  }
0x231: {  	v11 =	vcvt.s32.f32 v38;
	v51 =	vld.idx.msk [tilespmem:v58+s21+$0x0], $0xffff;
	v33 =	vmin.f32 v4, $4.095999020e+03;
	v4 =	vtrunc.f32 v0  }
0x232: {  	v3 =	vmin.f32 v3, $4.095999020e+03;
	v20 =	vld.idx.msk [tilespmem:v38+s21+$0x0], $0xffff;
	v38 =	vcvt.f32.s32 v4;
	[tilespmem:$0x1FE20] =	vst v5;
	v5 =	vmul.f32 v37, v30  }
0x233: {  	v43 =	vtrunc.f32 v61;
	v19 =	vmin.f32 v2, $4.095999020e+03;
	v2 =	vtrunc.f32 v3;
	[tilespmem:$0x1FD80] =	vst v6;
	v6 =	vld.idx.msk [tilespmem:v52+s19+$0x0], $0xffff  }
0x234: {  	v29 =	vtrunc.f32 v33;
	[tilespmem:$0x1FE30] =	vst v5;
	v5 =	vmax.f32 v41, $0.0e+00;
	v41 =	vcvt.f32.s32 v2;
	v2 =	vld [tilespmem:$0x1FD40]  }
0x235: {  	vm8 =	vgt.u32 v34, $0xA;
	[tilespmem:$0x1FDB0] =	vst v7;
	v7 =	vtrunc.f32 v62;
	v34 =	vcvt.f32.s32 v29;
	v52 =	vld [tilespmem:$0x1FD30]  }
0x236: {  	[tilespmem:$0x1FD50] =	vst v21;
	v1 =	vmax.f32 v1, $0.0e+00;
	v21 =	vcvt.f32.s32 v43;
	v12 =	vld.idx.msk [tilespmem:v45+s19+$0x0], $0xffff;
	v35 =	vtrunc.f32 v19  }
0x237: {  	v1 =	vmin.f32 v1, $4.095999020e+03;
	v7 =	vcvt.f32.s32 v7;
	v13 =	vld.idx.msk [tilespmem:v45+s21+$0x0], $0xffff;
	v35 =	vcvt.f32.s32 v35  }
0x238: {  	v29 =	vmul.f32 v55, v24;
	v55 =	vld.idx.msk [tilespmem:v38+s21+$0x0], $0xffff;
	[tilespmem:$0x1FD70] =	vst v6;
	v6 =	vcvt.s32.f32 v45;
	v45 =	vmin.f32 v5, $4.095999020e+03  }
0x239: {  	v5 =	vtrunc.f32 v1;
	vm9 =	vgt.u32 v2, $0xA;
	v2 =	vld [tilespmem:$0x1FD50];
	v26 =	vtrunc.f32 v45  }
0x23a: {  	vm12 =	vgt.u32 v52, $0xA;
	v52 =	vld.idx.msk [tilespmem:v57+s21+$0x0], $0xffff;
	v37 =	vcvt.f32.s32 v5;
	v5 =	vmul.f32 v25, v30  }
0x23b: {  	v25 =	vmul.f32 v59, v27;
	v27 =	vmul.f32 v63, v27;
	v63 =	vld.idx.msk [tilespmem:v34+s21+$0x0], $0xffff  }
0x23c: {  	v43 =	vcvt.f32.s32 v26;
	v26 =	vmul.f32 v53, v30;
	v53 =	vsub.f32 v44, v14;
	v44 =	vld.idx.msk [tilespmem:v21+s21+$0x0], $0xffff  }
0x23d: {  	v15 =	vcvt.s32.f32 v58;
	v30 =	vmul.f32 v56, v24;
	v56 =	vsub.f32 v46, v17;
	v46 =	vld.idx.msk [tilespmem:v7+s21+$0x0], $0xffff  }
0x23e: {  	v4 =	vcvt.s32.f32 v21;
	vm10 =	vgt.u32 v2, $0xA;
	v2 =	vsub.f32 v48, v6;
	v48 =	vld.idx.msk [tilespmem:v60+s21+$0x0], $0xffff  }
0x23f: {  	v18 =	vcvt.s32.f32 v60;
	v6 =	vsub.f32 v49, v10;
	v10 =	vsub.f32 v36, v11;
	v36 =	vld.idx.msk [tilespmem:v21+s19+$0x0], $0xffff  }
0x240: {  	v57 =	vsub.f32 v61, v4;
	[tilespmem:$0x1FE50] =	vst v5;
	v5 =	vcvt.s32.f32 v7;
	v49 =	vsub.f32 v39, v9;
	v39 =	vld.idx.msk [tilespmem:v7+s19+$0x0], $0xffff  }
0x241: {  	p1 =	slt.u32 s0, $0xFC0;
	v4 =	vcvt.s32.f32 v34;
	v24 =	vmul.f32 v8, v23;
	v60 =	vsub.f32 v47, v18;
	v47 =	vld.idx.msk [tilespmem:v41+s21+$0x0], $0xffff  }
.Ltmp1:
0x242: {  	v23 =	vmul.f32 v54, v23;
	v7 =	vcvt.s32.f32 v41;
	v61 =	vsub.f32 v62, v5;
	v62 =	vld.idx.msk [tilespmem:v35+s21+$0x0], $0xffff;
	(pc) =	sbr.rel @p1 .LBB2_5-.Ltmp1, $4  }
0x243: {  	v42 =	vsub.f32 v42, v15;
	v8 =	vcvt.s32.f32 v37;
	v9 =	vcvt.s32.f32 v38;
	v59 =	vld.idx.msk [tilespmem:v37+s21+$0x0], $0xffff  }
0x244: {  	v11 =	vcvt.s32.f32 v35;
	v58 =	vsub.f32 v3, v7;
	v3 =	vmul.f32 v2, v13;
	v13 =	vld [tilespmem:$0x1FD60]  }
0x245: {  	v5 =	vcvt.s32.f32 v43;
	v54 =	vsub.f32 v1, v8;
	v2 =	vmul.f32 v10, v20;
	v20 =	vld [tilespmem:$0x1FD70]  }
0x246: {  	s0 =	sadd.s32 $0x40, s0;
	v1 =	vsub.f32 v0, v9;
	v0 =	vsub.f32 v19, v11;
	v6 =	vmul.f32 v6, v16;
	v16 =	vld [tilespmem:$0x1FD80]  }
0x247: {  	_ =	sdelay $0x3  }
0x248: {  	v9 =	vmul.f32 v56, v52;
	v56 =	vld.idx.msk [tilespmem:v43+s21+$0x0], $0xffff  }
0x249: {  	v15 =	vld.idx.msk [tilespmem:v41+s19+$0x0], $0xffff  }
0x24a: {  	v17 =	vld.idx.msk [tilespmem:v38+s19+$0x0], $0xffff  }
0x24b: {  	v19 =	vld.idx.msk [tilespmem:v37+s19+$0x0], $0xffff  }
0x24c: {  	v35 =	vld.idx.msk [tilespmem:v35+s19+$0x0], $0xffff  }
0x24d: {  	v37 =	vld [tilespmem:$0x1FDC0]  }
0x24e: {  	v38 =	vld.idx.msk [tilespmem:v34+s19+$0x0], $0xffff  }
0x24f: {  	v7 =	vmul.f32 v53, v50;
	v21 =	vld [tilespmem:$0x1FDD0]  }
0x250: {  	v8 =	vmul.f32 v49, v40;
	v10 =	vmul.f32 v42, v51;
	v41 =	vld.idx.msk [tilespmem:v43+s19+$0x0], $0xffff  }
0x251: {  	v4 =	vsub.f32 v33, v4;
	v11 =	vmul.f32 v60, v48;
	v60 =	vmul.f32 v57, v44;
	v42 =	vld [tilespmem:$0x1FDF0]  }
0x252: {  	v5 =	vsub.f32 v45, v5;
	v14 =	vmul.f32 v61, v46;
	v33 =	vmul.f32 v58, v47;
	v43 =	vld [tilespmem:$0x1FE00]  }
0x253: {  	v3 =	vadd.f32 v3, v12;
	v44 =	vld [tilespmem:$0x1FE10];
	v1 =	vmul.f32 v1, v55;
	v18 =	vmul.f32 v54, v59  }
0x254: {  	v45 =	vld [tilespmem:$0x1FE20];
	v0 =	vmul.f32 v0, v62;
	v6 =	vadd.f32 v6, v13;
	v13 =	vadd.f32 v60, v36  }
0x255: {  	v47 =	vld [tilespmem:$0x1FE30];
	v7 =	vadd.f32 v7, v28;
	v10 =	vadd.f32 v10, v22;
	v4 =	vmul.f32 v4, v63  }
0x256: {  	v49 =	vld [tilespmem:$0x1FE50];
	v9 =	vadd.f32 v9, v31;
	v8 =	vadd.f32 v8, v20;
	v48 =	vmul.f32 v13, v26  }
0x257: {  	v58 =	vld [tilespmem:$0x1FDA0];
	v11 =	vadd.f32 v11, v32;
	v5 =	vmul.f32 v5, v56;
	v3 =	vmul.f32 v3, v37  }
0x258: {  	v40 =	vld [tilespmem:$0x1FDE0];
	v14 =	vadd.f32 v14, v39;
	v6 =	vmul.f32 v6, v21;
	v8 =	vmul.f32 v8, v42  }
0x259: {  	v2 =	vadd.f32 v2, v16;
	v7 =	vmul.f32 v7, v43;
	v10 =	vmul.f32 v10, v44  }
0x25a: {  	v15 =	vadd.f32 v33, v15;
	v1 =	vadd.f32 v1, v17;
	v9 =	vmul.f32 v9, v45  }
0x25b: {  	v46 =	vadd.f32 v18, v19;
	v0 =	vadd.f32 v0, v35;
	v11 =	vmul.f32 v11, v47  }
0x25c: {  	v4 =	vadd.f32 v4, v38;
	v13 =	vmul.f32 v14, v49;
	vm14 =	vgt.u32 v58, $0xA  }
0x25d: {  	v2 =	vmul.f32 v2, v40;
	v12 =	vnsel vm11, $0x0, v48;
	v5 =	vadd.f32 v5, v41  }
0x25e: {  	v60 =	vld [tilespmem:$0x1FDB0];
	v3 =	vnsel vm6, $0x0, v3;
	v6 =	vnsel vm5, $0x0, v6;
	v15 =	vmul.f32 v15, v29  }
0x25f: {  	v8 =	vnsel vm4, $0x0, v8;
	v1 =	vmul.f32 v1, v30;
	v7 =	vnsel vm2, $0x0, v7  }
0x260: {  	v16 =	vmul.f32 v46, v25;
	v0 =	vmul.f32 v0, v27;
	v10 =	vnsel vm3, $0x0, v10  }
0x261: {  	v9 =	vnsel vm0, $0x0, v9;
	v4 =	vmul.f32 v4, v24;
	v61 =	vmul.f32 v12, v12  }
0x262: {  	v11 =	vnsel vm1, $0x0, v11;
	v50 =	vmul.f32 v3, v3;
	v52 =	vmul.f32 v6, v6  }
0x263: {  	vm15 =	vgt.u32 v60, $0xA;
	v53 =	vmul.f32 v8, v8;
	v54 =	vmul.f32 v7, v7  }
0x264: {  	v13 =	vnsel vm12, $0x0, v13;
	v55 =	vmul.f32 v10, v10;
	v57 =	vmul.f32 v9, v9  }
0x265: {  	v2 =	vnsel vm7, $0x0, v2;
	v59 =	vmul.f32 v11, v11;
	v63 =	vmul.f32 v13, v13  }
0x266: {  	v51 =	vmul.f32 v2, v2;
	v5 =	vmul.f32 v5, v23;
	v15 =	vnsel vm8, $0x0, v15  }
0x267: {  	v1 =	vnsel vm9, $0x0, v1;
	v62 =	vnsel vm10, $0x0, v16;
	v4 =	vnsel vm14, $0x0, v4  }
0x268: {  	v33 =	vadd.f32 $3.999999900e-04, v61;
	v12 =	vmul.f32 v61, v12;
	v14 =	vadd.f32 $3.999999900e-04, v50  }
0x269: {  	v3 =	vmul.f32 v50, v3;
	v6 =	vmul.f32 v52, v6;
	v18 =	vadd.f32 $3.999999900e-04, v52  }
0x26a: {  	v7 =	vmul.f32 v54, v7;
	v17 =	vadd.f32 $3.999999900e-04, v51;
	(erf) = vrcp.f32 v14  }
0x26b: {  	v56 =	vld [tilespmem:$0x1FD90];
	v8 =	vmul.f32 v53, v8;
	v19 =	vadd.f32 $3.999999900e-04, v53;
	(erf) = vrcp.f32 v18  }
0x26c: {  	v9 =	vmul.f32 v57, v9;
	v20 =	vadd.f32 $3.999999900e-04, v54;
	(erf) = vrcp.f32 v17  }
0x26d: {  	v10 =	vmul.f32 v55, v10;
	v21 =	vadd.f32 $3.999999900e-04, v55;
	(erf) = vrcp.f32 v19  }
0x26e: {  	v11 =	vmul.f32 v59, v11;
	v28 =	vadd.f32 $3.999999900e-04, v57;
	(erf) = vrcp.f32 v20  }
0x26f: {  	v29 =	vmul.f32 v15, v15;
	v30 =	vadd.f32 $3.999999900e-04, v59;
	(erf) = vrcp.f32 v21  }
0x270: {  	vm13 =	vgt.u32 v56, $0xA;
	v34 =	vmul.f32 v4, v4;
	(erf) = vrcp.f32 v28  }
0x271: {  	v35 =	vadd.f32 $3.999999900e-04, v63;
	v5 =	vnsel vm15, $0x0, v5;
	(erf) = vrcp.f32 v30  }
0x272: {  	v36 =	vmul.f32 v5, v5;
	v37 =	vadd.f32 $3.999999900e-04, v29;
	(erf) = vrcp.f32 v33  }
0x273: {  	v31 =	vmul.f32 v62, v62;
	v38 =	vadd.f32 $3.999999900e-04, v34;
	(erf) = vrcp.f32 v35;
	v39 =	vpop (erf)  }
0x274: {  	v13 =	vmul.f32 v63, v13;
	v40 =	vadd.f32 $3.999999900e-04, v36;
	v41 =	vpop (erf);
	(erf) = vrcp.f32 v37  }
0x275: {  	v44 =	vmul.f32 v1, v1;
	v0 =	vnsel vm13, $0x0, v0;
	(erf) = vrcp.f32 v38;
	v43 =	vpop (erf)  }
0x276: {  	v32 =	vmul.f32 v0, v0;
	(erf) = vrcp.f32 v40;
	v45 =	vpop (erf)  }
0x277: {  	v2 =	vmul.f32 v51, v2;
	v15 =	vmul.f32 v29, v15;
	v42 =	vadd.f32 $3.999999900e-04, v31;
	v46 =	vpop (erf)  }
0x278: {  	v14 =	vmul.f32 v31, v62;
	v4 =	vmul.f32 v34, v4;
	v20 =	vadd.f32 $3.999999900e-04, v32;
	v47 =	vpop (erf)  }
0x279: {  	v53 =	vld [tilespmem:$0x1FE60];
	v0 =	vmul.f32 v32, v0;
	(erf) = vrcp.f32 v42;
	v48 =	vpop (erf)  }
0x27a: {  	v54 =	vld [tilespmem:$0x1FE70];
	v5 =	vmul.f32 v36, v5;
	(erf) = vrcp.f32 v20;
	v49 =	vpop (erf)  }
0x27b: {  	v57 =	vld [tilespmem:$0x1FE90];
	v19 =	vadd.f32 $3.999999900e-04, v44;
	v3 =	vmul.f32 v39, v3;
	v2 =	vmul.f32 v43, v2;
	v50 =	vpop (erf)  }
0x27c: {  	v56 =	vld [tilespmem:$0x1FE80];
	v8 =	vmul.f32 v45, v8;
	v9 =	vmul.f32 v48, v9;
	v51 =	vpop (erf)  }
0x27d: {  	(erf) = vrcp.f32 v19;
	v11 =	vmul.f32 v49, v11;
	v52 =	vpop (erf)  }
0x27e: {  	v7 =	vmul.f32 v46, v7;
	v9 =	vadd.f32 v9, v53;
	v13 =	vmul.f32 v51, v13;
	v55 =	vpop (erf)  }
0x27f: {  	v10 =	vmul.f32 v47, v10;
	v12 =	vmul.f32 v50, v12;
	v11 =	vadd.f32 v11, v54;
	v58 =	vpop (erf)  }
0x280: {  	v7 =	vadd.f32 v7, v9;
	v13 =	vadd.f32 v13, v57;
	v5 =	vmul.f32 v58, v5  }
0x281: {  	v12 =	vadd.f32 v12, v56;
	v4 =	vmul.f32 v55, v4;
	v59 =	vadd.f32 v10, v11  }
0x282: {  	v6 =	vmul.f32 v41, v6;
	v60 =	vpop (erf);
	v2 =	vadd.f32 v2, v7;
	v5 =	vadd.f32 v5, v13  }
0x283: {  	v10 =	vmul.f32 v60, v14;
	v4 =	vadd.f32 v4, v12;
	v7 =	vadd.f32 v8, v59;
	v8 =	vpop (erf)  }
0x284: {  	v1 =	vmul.f32 v44, v1;
	v0 =	vmul.f32 v8, v0;
	v2 =	vadd.f32 v3, v2  }
0x285: {  	v8 =	vmul.f32 v52, v15;
	v4 =	vadd.f32 v10, v4;
	v61 =	vadd.f32 v6, v7  }
0x286: {  	v0 =	vadd.f32 v0, v5;
	v5 =	vpop (erf)  }
0x287: {  	v4 =	vadd.f32 v8, v4;
	v2 =	vadd.f32 v61, v2;
	v1 =	vmul.f32 v5, v1  }
0x288: {  	v62 =	vld [tilespmem:$0x11000]  }
0x289: {  	s29 =	sadd.s32 $0x1, s29;
	v63 =	vadd.f32 v4, v2;
	v0 =	vadd.f32 v1, v0  }
0x28a: {  	p0 =	sne.s32 s29, $0x4  }
.Ltmp2:
0x28b: {  	v0 =	vadd.f32 v0, v63;
	(pc) =	sbr.rel @p0 .LBB2_2-.Ltmp2, $3  }
0x28c: {  	_ = 	snop  }
0x28d: {  	v0 =	vadd.f32 v62, v0;
	_ =	sdelay $0x1  }
0x28e: {  	v6 =	vld [tilespmem:$0x1FFF0];
	[tilespmem:$0x11000] =	vst v0  }
0x28f: {  	s28 =	sadd.s32 $0x1, s28  }
0x290: {  	p0 =	sne.s32 s28, s14  }
.Ltmp3:
0x291: {  	s0 =	simm.s32 $0x11000;
	(pc) =	sbr.rel @p0 .LBB2_1-.Ltmp3, $4  }
0x292: {  	[hbm4b:s13+s4] =	stream.linear.scatter [tilespmem:s0], [sflag:$0x3], $0x80, $0x38;
	[tilespmem:$0x13080] =	vst v63  }
0x293: {  	_ =	swait.ge [sflag:s20], $0x80  }
0x294: {  	[sflag:s20] =	ssyncset.done $0x0  }
0x295: {  	[sflag:s20] =	ssyncadd.s32 $0xFFFFFF80  }
0x296: {  	_ =	sfence.sel $0x180000  }
0x297: {  	[bflag:$0x0] =	sbarrier.arrive $0xFFFF  }
0x298: {  	_ =	strace $0x90000047  }
0x299: {  	s0 =	stileid.u32;
	[bflag:$0x2] =	sbarrier.arrive $0xFFFF  }
0x29a: {  	p0 =	sne.s32 s0, $0x0;
	s0 =	rddreg [dreg:$0x3]  }
0x29b: {  	s0 =	sadd.s32 @!p0 $0x100000, s0  }
0x29c: {  	[sflag:s0] =	ssyncadd.tile.s32 @!p0 $0x1;
	_ =	shalt  }
.Lfunc_end2:
_tile_overlayer_lowered:
.L_overlay_start_2:
0x29d: {  	(tag) =	ssettag $0x2  }
0x29e: {  	s0 =	rddreg [dreg:$0x0];
	s2 =	stileid.u32  }
0x29f: {  	s1 =	rddreg [dreg:$0x1];
	p0 =	sne.s32 s2, $0x0  }
0x2a0: {  	s3 =	rddreg [dreg:$0x2];
	[bflag:$0x3] =	sbarrier.arrive $0xFFFF;
	s2 =	simm.s32 @!p0 $0x1C03  }
0x2a1: {  	[timem:s3], [sflag:s2] =	dma.local @!p0 [hbm:s0], s1  }
0x2a2: {  	s0 =	simm.s32 @!p0 $0x3  }
0x2a3: {  	_ =	swait.ge @!p0 [sflag:s0], s1  }
0x2a4: {  	s1 =	ssub.s32 @!p0 $0x0, s1;
	[sflag:s0] =	ssyncset.done @!p0 $0x0  }
0x2a5: {  	[sflag:s0] =	ssyncadd.s32 @!p0 s1  }
0x2a6: {  	[bflag:$0x3] =	sbarrier.arrive $0xFFFF  }
0x2a7: {  	_ =	shalt  }

</sc_bundles>
